<compile_context>
chip_gen: v7x
topology: tpu7x:2x2x1
jax: 0.10.2.dev20260603
libtpu: 0.0.44.dev20260713+nightly
codegen_flags: <defaults>
</compile_context>

<pallas_src>
import functools

import jax
import jax.numpy as jnp
from jax import lax
from jax.experimental import pallas as pl
from jax.experimental.pallas import tpu as pltpu
from jax.experimental.pallas import tpu_sc as plsc

_MAX_SIZE = 1000000
_STATE_DIM = 64
_BATCH = 16384

_NC = 2
_NS = 16
_NW = _NC * _NS
_B_PER_W = _BATCH // _NW
_CHUNK = 128
_NCHUNK = _B_PER_W // _CHUNK


def _make_sample_kernel():
    mesh = plsc.VectorSubcoreMesh(core_axis_name="c", subcore_axis_name="s")

    @functools.partial(
        pl.kernel,
        mesh=mesh,
        compiler_params=pltpu.CompilerParams(use_tc_tiling_on_sc=False),
        out_type=(
            jax.ShapeDtypeStruct((_BATCH, _STATE_DIM), jnp.float32),
            jax.ShapeDtypeStruct((_BATCH,), jnp.int32),
            jax.ShapeDtypeStruct((_BATCH,), jnp.float32),
            jax.ShapeDtypeStruct((_BATCH, _STATE_DIM), jnp.float32),
            jax.ShapeDtypeStruct((_BATCH,), jnp.float32),
        ),
        scratch_types=[
            pltpu.VMEM((_NCHUNK, _CHUNK), jnp.int32),
            pltpu.VMEM((_B_PER_W, _STATE_DIM), jnp.float32),
            pltpu.VMEM((_B_PER_W,), jnp.int32),
            pltpu.VMEM((_B_PER_W,), jnp.float32),
            pltpu.VMEM((_B_PER_W, _STATE_DIM), jnp.float32),
            pltpu.VMEM((_B_PER_W,), jnp.float32),
            pltpu.SemaphoreType.DMA,
        ],
    )
    def sample(s_hbm, a_hbm, r_hbm, sn_hbm, dw_hbm, ind_hbm,
               s_out, a_out, r_out, sn_out, dw_out,
               idx_v, s_v, a_v, r_v, sn_v, dw_v, sem):
        wid = lax.axis_index("s") * _NC + lax.axis_index("c")
        base = wid * _B_PER_W
        pltpu.sync_copy(ind_hbm.at[wid], idx_v)
        copies = []
        for j in range(_NCHUNK):
            idx_j = idx_v.at[j]
            sl = pl.ds(j * _CHUNK, _CHUNK)
            copies.append(pltpu.async_copy(s_hbm.at[idx_j], s_v.at[sl], sem))
            copies.append(pltpu.async_copy(a_hbm.at[idx_j], a_v.at[sl], sem))
            copies.append(pltpu.async_copy(r_hbm.at[idx_j], r_v.at[sl], sem))
            copies.append(pltpu.async_copy(sn_hbm.at[idx_j], sn_v.at[sl], sem))
            copies.append(pltpu.async_copy(dw_hbm.at[idx_j], dw_v.at[sl], sem))
        for c in copies:
            c.wait()
        osl = pl.ds(base, _B_PER_W)
        pltpu.sync_copy(s_v, s_out.at[osl])
        pltpu.sync_copy(a_v, a_out.at[osl])
        pltpu.sync_copy(r_v, r_out.at[osl])
        pltpu.sync_copy(sn_v, sn_out.at[osl])
        pltpu.sync_copy(dw_v, dw_out.at[osl])

    return sample


_sample = _make_sample_kernel()


def kernel(s, a, r, s_next, dw, ind):
    ind3 = ind.reshape(_NW, _NCHUNK, _CHUNK)
    s_b, a_b, r_b, sn_b, dw_b = _sample(
        s, a[:, 0], r[:, 0], s_next, dw[:, 0], ind3)
    return (s_b, a_b.reshape(_BATCH, 1), r_b.reshape(_BATCH, 1),
            sn_b, dw_b.reshape(_BATCH, 1))

# --- scband reference (transcript-rebuilt; emitter-appended) ---
"""Pipeline reference for scband-replay-buffer-60318520705650 (READ-ONLY COPY).

The authoritative reference and input builder live on the scoring server;
editing this copy changes nothing except your own understanding.
"""

import jax, jax.numpy as jnp
import numpy as np

MAX_SIZE = 1000000
STATE_DIM = 64
BATCH = 16384


def setup_inputs(seed: int = 0) -> dict:
    key = jax.random.key(seed)
    ks = jax.random.split(key, 6)
    # Buffer state: in the torch module these are zero-initialized and filled by add();
    # we materialize a 'filled' buffer so sample() gathers real data.
    s = jax.random.normal(ks[0], (MAX_SIZE, STATE_DIM), dtype=jnp.float32)
    a = jax.random.randint(ks[1], (MAX_SIZE, 1), 0, 10, dtype=jnp.int32)
    r = jax.random.normal(ks[2], (MAX_SIZE, 1), dtype=jnp.float32)
    s_next = jax.random.normal(ks[3], (MAX_SIZE, STATE_DIM), dtype=jnp.float32)
    dw = (jax.random.uniform(ks[4], (MAX_SIZE, 1)) < 0.01).astype(jnp.float32)
    # torch sample() draws ind = randint(0, size, (batch_size,)); we draw it here
    # deterministically so the gather is reproducible.
    ind = jax.random.randint(ks[5], (BATCH,), 0, MAX_SIZE, dtype=jnp.int32)
    return {"s": s, "a": a, "r": r, "s_next": s_next, "dw": dw, "ind": ind}


def reference(s, a, r, s_next, dw, ind):
    # Faithful translation of ReplayBuffer.sample: five row-gathers from the
    # buffer tables using the same random index vector.
    s_b = jnp.take(s, ind, axis=0)
    a_b = jnp.take(a, ind, axis=0)
    r_b = jnp.take(r, ind, axis=0)
    s_next_b = jnp.take(s_next, ind, axis=0)
    dw_b = jnp.take(dw, ind, axis=0)
    return (s_b, a_b, r_b, s_next_b, dw_b)

if __name__ == "__main__":
    import jax
    _d = setup_inputs()
    print(jax.jit(kernel)(*tuple(_d.values())))

</pallas_src>

<mosaic_0001>
#map = affine_map<(d0, d1) -> (0, 0)>
#map1 = affine_map<(d0, d1) -> (0)>
#map2 = affine_map<(d0, d1) -> (0, 0, 0)>
module attributes {stable_mosaic.version = 14 : i64} {
  func.func @sample(%arg0: i32, %arg1: i32, %arg2: memref<1000000x64xf32, #tpu.memory_space<hbm>>, %arg3: memref<1000000xi32, #tpu.memory_space<hbm>>, %arg4: memref<1000000xf32, #tpu.memory_space<hbm>>, %arg5: memref<1000000x64xf32, #tpu.memory_space<hbm>>, %arg6: memref<1000000xf32, #tpu.memory_space<hbm>>, %arg7: memref<32x4x128xi32, #tpu.memory_space<hbm>>, %arg8: memref<16384x64xf32, #tpu.memory_space<hbm>>, %arg9: memref<16384xi32, #tpu.memory_space<hbm>>, %arg10: memref<16384xf32, #tpu.memory_space<hbm>>, %arg11: memref<16384x64xf32, #tpu.memory_space<hbm>>, %arg12: memref<16384xf32, #tpu.memory_space<hbm>>, %arg13: memref<4x128xi32, #tpu.memory_space<vmem>>, %arg14: memref<512x64xf32, #tpu.memory_space<vmem>>, %arg15: memref<512xi32, #tpu.memory_space<vmem>>, %arg16: memref<512xf32, #tpu.memory_space<vmem>>, %arg17: memref<512x64xf32, #tpu.memory_space<vmem>>, %arg18: memref<512xf32, #tpu.memory_space<vmem>>, %arg19: memref<!tpu.dma_semaphore, #tpu.memory_space<semaphore_mem>>) attributes {dimension_semantics = [#tpu.dimension_semantics<core_parallel>, #tpu.dimension_semantics<subcore_parallel>], iteration_bounds = array<i64: 2, 16>, scalar_prefetch = 0 : i64, scratch_operands = 7 : i64, tpu.core_type = #tpu.core_type<sc_vector_subcore>, window_params = [{transform_indices = #map}, {transform_indices = #map1}, {transform_indices = #map1}, {transform_indices = #map}, {transform_indices = #map1}, {transform_indices = #map2}, {transform_indices = #map}, {transform_indices = #map1}, {transform_indices = #map1}, {transform_indices = #map}, {transform_indices = #map1}]} {
    %mul3A = arith.constant 2 : i32
    %mul3A_0 = arith.muli %arg1, %mul3A : i32
    %add3A = arith.addi %mul3A_0, %arg0 : i32
    %mul3A_1 = arith.constant 512 : i32
    %mul3A_2 = arith.muli %add3A, %mul3A_1 : i32
    "tpu.region"() ({
      %run_scoped3A = tpu.sem_alloc : memref<!tpu.dma_semaphore, #tpu.memory_space<semaphore_mem>>
      %dma_start3A_353 = arith.constant 0 : i32
      %dma_start3A_354 = arith.constant 0 : i32
      %dma_start3A_355 = tpu.memref_slice %arg7[%add3A, %dma_start3A_353, %dma_start3A_354] : memref<32x4x128xi32, #tpu.memory_space<hbm>> -> memref<1x4x128xi32, #tpu.memory_space<hbm>>
      %dma_start3A_356 = tpu.memref_squeeze %dma_start3A_355 : memref<1x4x128xi32, #tpu.memory_space<hbm>> -> memref<4x128xi32, #tpu.memory_space<hbm>>
      %dma_start3A_357 = arith.constant 0 : i32
      %dma_start3A_358 = arith.constant 0 : i32
      %dma_start3A_359 = tpu.memref_slice %arg7[%add3A, %dma_start3A_357, %dma_start3A_358] : memref<32x4x128xi32, #tpu.memory_space<hbm>> -> memref<1x4x128xi32, #tpu.memory_space<hbm>>
      %dma_start3A_360 = tpu.memref_squeeze %dma_start3A_359 : memref<1x4x128xi32, #tpu.memory_space<hbm>> -> memref<4x128xi32, #tpu.memory_space<hbm>>
      tpu.enqueue_dma source(%dma_start3A_360 : memref<4x128xi32, #tpu.memory_space<hbm>>) target(%arg13 : memref<4x128xi32, #tpu.memory_space<vmem>>) target_semaphore(%run_scoped3A : memref<!tpu.dma_semaphore, #tpu.memory_space<semaphore_mem>>)
      %dma_wait3A_361 = arith.constant 0 : i32
      %dma_wait3A_362 = arith.constant 0 : i32
      %dma_wait3A_363 = tpu.memref_slice %arg7[%add3A, %dma_wait3A_361, %dma_wait3A_362] : memref<32x4x128xi32, #tpu.memory_space<hbm>> -> memref<1x4x128xi32, #tpu.memory_space<hbm>>
      %dma_wait3A_364 = tpu.memref_squeeze %dma_wait3A_363 : memref<1x4x128xi32, #tpu.memory_space<hbm>> -> memref<4x128xi32, #tpu.memory_space<hbm>>
      %dma_wait3A_365 = arith.constant 0 : i32
      %dma_wait3A_366 = arith.constant 0 : i32
      %dma_wait3A_367 = tpu.memref_slice %arg7[%add3A, %dma_wait3A_365, %dma_wait3A_366] : memref<32x4x128xi32, #tpu.memory_space<hbm>> -> memref<1x4x128xi32, #tpu.memory_space<hbm>>
      %dma_wait3A_368 = tpu.memref_squeeze %dma_wait3A_367 : memref<1x4x128xi32, #tpu.memory_space<hbm>> -> memref<4x128xi32, #tpu.memory_space<hbm>>
      tpu.wait_dma2 semaphore(%run_scoped3A : memref<!tpu.dma_semaphore, #tpu.memory_space<semaphore_mem>>) src(%dma_wait3A_368 : memref<4x128xi32, #tpu.memory_space<hbm>>) dst(%arg13 : memref<4x128xi32, #tpu.memory_space<vmem>>)
      tpu.yield
    }) : () -> ()
    %dma_start3A = arith.constant 0 : i32
    %dma_start3A_3 = arith.constant 0 : i32
    %dma_start3A_4 = arith.constant 0 : i32
    %dma_start3A_5 = tpu.memref_slice %arg14[%dma_start3A_3, %dma_start3A_4] : memref<512x64xf32, #tpu.memory_space<vmem>> -> memref<128x64xf32, #tpu.memory_space<vmem>>
    %dma_start3A_6 = arith.constant 0 : i32
    %dma_start3A_7 = tpu.memref_slice %arg13[%dma_start3A, %dma_start3A_6] : memref<4x128xi32, #tpu.memory_space<vmem>> -> memref<1x128xi32, #tpu.memory_space<vmem>>
    %dma_start3A_8 = tpu.memref_squeeze %dma_start3A_7 : memref<1x128xi32, #tpu.memory_space<vmem>> -> memref<128xi32, #tpu.memory_space<vmem>>
    %dma_start3A_9 = arith.constant 0 : i32
    %dma_start3A_10 = arith.constant 0 : i32
    %dma_start3A_11 = tpu.memref_slice %arg2[%dma_start3A_9, %dma_start3A_10] : memref<1000000x64xf32, #tpu.memory_space<hbm>> -> memref<1000000x64xf32, #tpu.memory_space<hbm>>
    tpu.enqueue_indirect_dma source(%dma_start3A_11 : memref<1000000x64xf32, #tpu.memory_space<hbm>>) target(%dma_start3A_5 : memref<128x64xf32, #tpu.memory_space<vmem>>) offsets(%dma_start3A_8 : memref<128xi32, #tpu.memory_space<vmem>>) semaphore(%arg19 : memref<!tpu.dma_semaphore, #tpu.memory_space<semaphore_mem>>)
    %dma_start3A_12 = arith.constant 0 : i32
    %dma_start3A_13 = arith.constant 0 : i32
    %dma_start3A_14 = tpu.memref_slice %arg15[%dma_start3A_13] : memref<512xi32, #tpu.memory_space<vmem>> -> memref<128xi32, #tpu.memory_space<vmem>>
    %dma_start3A_15 = arith.constant 0 : i32
    %dma_start3A_16 = tpu.memref_slice %arg13[%dma_start3A_12, %dma_start3A_15] : memref<4x128xi32, #tpu.memory_space<vmem>> -> memref<1x128xi32, #tpu.memory_space<vmem>>
    %dma_start3A_17 = tpu.memref_squeeze %dma_start3A_16 : memref<1x128xi32, #tpu.memory_space<vmem>> -> memref<128xi32, #tpu.memory_space<vmem>>
    %dma_start3A_18 = arith.constant 0 : i32
    %dma_start3A_19 = tpu.memref_slice %arg3[%dma_start3A_18] : memref<1000000xi32, #tpu.memory_space<hbm>> -> memref<1000000xi32, #tpu.memory_space<hbm>>
    tpu.enqueue_indirect_dma source(%dma_start3A_19 : memref<1000000xi32, #tpu.memory_space<hbm>>) target(%dma_start3A_14 : memref<128xi32, #tpu.memory_space<vmem>>) offsets(%dma_start3A_17 : memref<128xi32, #tpu.memory_space<vmem>>) semaphore(%arg19 : memref<!tpu.dma_semaphore, #tpu.memory_space<semaphore_mem>>)
    %dma_start3A_20 = arith.constant 0 : i32
    %dma_start3A_21 = arith.constant 0 : i32
    %dma_start3A_22 = tpu.memref_slice %arg16[%dma_start3A_21] : memref<512xf32, #tpu.memory_space<vmem>> -> memref<128xf32, #tpu.memory_space<vmem>>
    %dma_start3A_23 = arith.constant 0 : i32
    %dma_start3A_24 = tpu.memref_slice %arg13[%dma_start3A_20, %dma_start3A_23] : memref<4x128xi32, #tpu.memory_space<vmem>> -> memref<1x128xi32, #tpu.memory_space<vmem>>
    %dma_start3A_25 = tpu.memref_squeeze %dma_start3A_24 : memref<1x128xi32, #tpu.memory_space<vmem>> -> memref<128xi32, #tpu.memory_space<vmem>>
    %dma_start3A_26 = arith.constant 0 : i32
    %dma_start3A_27 = tpu.memref_slice %arg4[%dma_start3A_26] : memref<1000000xf32, #tpu.memory_space<hbm>> -> memref<1000000xf32, #tpu.memory_space<hbm>>
    tpu.enqueue_indirect_dma source(%dma_start3A_27 : memref<1000000xf32, #tpu.memory_space<hbm>>) target(%dma_start3A_22 : memref<128xf32, #tpu.memory_space<vmem>>) offsets(%dma_start3A_25 : memref<128xi32, #tpu.memory_space<vmem>>) semaphore(%arg19 : memref<!tpu.dma_semaphore, #tpu.memory_space<semaphore_mem>>)
    %dma_start3A_28 = arith.constant 0 : i32
    %dma_start3A_29 = arith.constant 0 : i32
    %dma_start3A_30 = arith.constant 0 : i32
    %dma_start3A_31 = tpu.memref_slice %arg17[%dma_start3A_29, %dma_start3A_30] : memref<512x64xf32, #tpu.memory_space<vmem>> -> memref<128x64xf32, #tpu.memory_space<vmem>>
    %dma_start3A_32 = arith.constant 0 : i32
    %dma_start3A_33 = tpu.memref_slice %arg13[%dma_start3A_28, %dma_start3A_32] : memref<4x128xi32, #tpu.memory_space<vmem>> -> memref<1x128xi32, #tpu.memory_space<vmem>>
    %dma_start3A_34 = tpu.memref_squeeze %dma_start3A_33 : memref<1x128xi32, #tpu.memory_space<vmem>> -> memref<128xi32, #tpu.memory_space<vmem>>
    %dma_start3A_35 = arith.constant 0 : i32
    %dma_start3A_36 = arith.constant 0 : i32
    %dma_start3A_37 = tpu.memref_slice %arg5[%dma_start3A_35, %dma_start3A_36] : memref<1000000x64xf32, #tpu.memory_space<hbm>> -> memref<1000000x64xf32, #tpu.memory_space<hbm>>
    tpu.enqueue_indirect_dma source(%dma_start3A_37 : memref<1000000x64xf32, #tpu.memory_space<hbm>>) target(%dma_start3A_31 : memref<128x64xf32, #tpu.memory_space<vmem>>) offsets(%dma_start3A_34 : memref<128xi32, #tpu.memory_space<vmem>>) semaphore(%arg19 : memref<!tpu.dma_semaphore, #tpu.memory_space<semaphore_mem>>)
    %dma_start3A_38 = arith.constant 0 : i32
    %dma_start3A_39 = arith.constant 0 : i32
    %dma_start3A_40 = tpu.memref_slice %arg18[%dma_start3A_39] : memref<512xf32, #tpu.memory_space<vmem>> -> memref<128xf32, #tpu.memory_space<vmem>>
    %dma_start3A_41 = arith.constant 0 : i32
    %dma_start3A_42 = tpu.memref_slice %arg13[%dma_start3A_38, %dma_start3A_41] : memref<4x128xi32, #tpu.memory_space<vmem>> -> memref<1x128xi32, #tpu.memory_space<vmem>>
    %dma_start3A_43 = tpu.memref_squeeze %dma_start3A_42 : memref<1x128xi32, #tpu.memory_space<vmem>> -> memref<128xi32, #tpu.memory_space<vmem>>
    %dma_start3A_44 = arith.constant 0 : i32
    %dma_start3A_45 = tpu.memref_slice %arg6[%dma_start3A_44] : memref<1000000xf32, #tpu.memory_space<hbm>> -> memref<1000000xf32, #tpu.memory_space<hbm>>
    tpu.enqueue_indirect_dma source(%dma_start3A_45 : memref<1000000xf32, #tpu.memory_space<hbm>>) target(%dma_start3A_40 : memref<128xf32, #tpu.memory_space<vmem>>) offsets(%dma_start3A_43 : memref<128xi32, #tpu.memory_space<vmem>>) semaphore(%arg19 : memref<!tpu.dma_semaphore, #tpu.memory_space<semaphore_mem>>)
    %dma_start3A_46 = arith.constant 1 : i32
    %dma_start3A_47 = arith.constant 128 : i32
    %dma_start3A_48 = arith.constant 0 : i32
    %dma_start3A_49 = tpu.memref_slice %arg14[%dma_start3A_47, %dma_start3A_48] : memref<512x64xf32, #tpu.memory_space<vmem>> -> memref<128x64xf32, #tpu.memory_space<vmem>>
    %dma_start3A_50 = arith.constant 0 : i32
    %dma_start3A_51 = tpu.memref_slice %arg13[%dma_start3A_46, %dma_start3A_50] : memref<4x128xi32, #tpu.memory_space<vmem>> -> memref<1x128xi32, #tpu.memory_space<vmem>>
    %dma_start3A_52 = tpu.memref_squeeze %dma_start3A_51 : memref<1x128xi32, #tpu.memory_space<vmem>> -> memref<128xi32, #tpu.memory_space<vmem>>
    %dma_start3A_53 = arith.constant 0 : i32
    %dma_start3A_54 = arith.constant 0 : i32
    %dma_start3A_55 = tpu.memref_slice %arg2[%dma_start3A_53, %dma_start3A_54] : memref<1000000x64xf32, #tpu.memory_space<hbm>> -> memref<1000000x64xf32, #tpu.memory_space<hbm>>
    tpu.enqueue_indirect_dma source(%dma_start3A_55 : memref<1000000x64xf32, #tpu.memory_space<hbm>>) target(%dma_start3A_49 : memref<128x64xf32, #tpu.memory_space<vmem>>) offsets(%dma_start3A_52 : memref<128xi32, #tpu.memory_space<vmem>>) semaphore(%arg19 : memref<!tpu.dma_semaphore, #tpu.memory_space<semaphore_mem>>)
    %dma_start3A_56 = arith.constant 1 : i32
    %dma_start3A_57 = arith.constant 128 : i32
    %dma_start3A_58 = tpu.memref_slice %arg15[%dma_start3A_57] : memref<512xi32, #tpu.memory_space<vmem>> -> memref<128xi32, #tpu.memory_space<vmem>>
    %dma_start3A_59 = arith.constant 0 : i32
    %dma_start3A_60 = tpu.memref_slice %arg13[%dma_start3A_56, %dma_start3A_59] : memref<4x128xi32, #tpu.memory_space<vmem>> -> memref<1x128xi32, #tpu.memory_space<vmem>>
    %dma_start3A_61 = tpu.memref_squeeze %dma_start3A_60 : memref<1x128xi32, #tpu.memory_space<vmem>> -> memref<128xi32, #tpu.memory_space<vmem>>
    %dma_start3A_62 = arith.constant 0 : i32
    %dma_start3A_63 = tpu.memref_slice %arg3[%dma_start3A_62] : memref<1000000xi32, #tpu.memory_space<hbm>> -> memref<1000000xi32, #tpu.memory_space<hbm>>
    tpu.enqueue_indirect_dma source(%dma_start3A_63 : memref<1000000xi32, #tpu.memory_space<hbm>>) target(%dma_start3A_58 : memref<128xi32, #tpu.memory_space<vmem>>) offsets(%dma_start3A_61 : memref<128xi32, #tpu.memory_space<vmem>>) semaphore(%arg19 : memref<!tpu.dma_semaphore, #tpu.memory_space<semaphore_mem>>)
    %dma_start3A_64 = arith.constant 1 : i32
    %dma_start3A_65 = arith.constant 128 : i32
    %dma_start3A_66 = tpu.memref_slice %arg16[%dma_start3A_65] : memref<512xf32, #tpu.memory_space<vmem>> -> memref<128xf32, #tpu.memory_space<vmem>>
    %dma_start3A_67 = arith.constant 0 : i32
    %dma_start3A_68 = tpu.memref_slice %arg13[%dma_start3A_64, %dma_start3A_67] : memref<4x128xi32, #tpu.memory_space<vmem>> -> memref<1x128xi32, #tpu.memory_space<vmem>>
    %dma_start3A_69 = tpu.memref_squeeze %dma_start3A_68 : memref<1x128xi32, #tpu.memory_space<vmem>> -> memref<128xi32, #tpu.memory_space<vmem>>
    %dma_start3A_70 = arith.constant 0 : i32
    %dma_start3A_71 = tpu.memref_slice %arg4[%dma_start3A_70] : memref<1000000xf32, #tpu.memory_space<hbm>> -> memref<1000000xf32, #tpu.memory_space<hbm>>
    tpu.enqueue_indirect_dma source(%dma_start3A_71 : memref<1000000xf32, #tpu.memory_space<hbm>>) target(%dma_start3A_66 : memref<128xf32, #tpu.memory_space<vmem>>) offsets(%dma_start3A_69 : memref<128xi32, #tpu.memory_space<vmem>>) semaphore(%arg19 : memref<!tpu.dma_semaphore, #tpu.memory_space<semaphore_mem>>)
    %dma_start3A_72 = arith.constant 1 : i32
    %dma_start3A_73 = arith.constant 128 : i32
    %dma_start3A_74 = arith.constant 0 : i32
    %dma_start3A_75 = tpu.memref_slice %arg17[%dma_start3A_73, %dma_start3A_74] : memref<512x64xf32, #tpu.memory_space<vmem>> -> memref<128x64xf32, #tpu.memory_space<vmem>>
    %dma_start3A_76 = arith.constant 0 : i32
    %dma_start3A_77 = tpu.memref_slice %arg13[%dma_start3A_72, %dma_start3A_76] : memref<4x128xi32, #tpu.memory_space<vmem>> -> memref<1x128xi32, #tpu.memory_space<vmem>>
    %dma_start3A_78 = tpu.memref_squeeze %dma_start3A_77 : memref<1x128xi32, #tpu.memory_space<vmem>> -> memref<128xi32, #tpu.memory_space<vmem>>
    %dma_start3A_79 = arith.constant 0 : i32
    %dma_start3A_80 = arith.constant 0 : i32
    %dma_start3A_81 = tpu.memref_slice %arg5[%dma_start3A_79, %dma_start3A_80] : memref<1000000x64xf32, #tpu.memory_space<hbm>> -> memref<1000000x64xf32, #tpu.memory_space<hbm>>
    tpu.enqueue_indirect_dma source(%dma_start3A_81 : memref<1000000x64xf32, #tpu.memory_space<hbm>>) target(%dma_start3A_75 : memref<128x64xf32, #tpu.memory_space<vmem>>) offsets(%dma_start3A_78 : memref<128xi32, #tpu.memory_space<vmem>>) semaphore(%arg19 : memref<!tpu.dma_semaphore, #tpu.memory_space<semaphore_mem>>)
    %dma_start3A_82 = arith.constant 1 : i32
    %dma_start3A_83 = arith.constant 128 : i32
    %dma_start3A_84 = tpu.memref_slice %arg18[%dma_start3A_83] : memref<512xf32, #tpu.memory_space<vmem>> -> memref<128xf32, #tpu.memory_space<vmem>>
    %dma_start3A_85 = arith.constant 0 : i32
    %dma_start3A_86 = tpu.memref_slice %arg13[%dma_start3A_82, %dma_start3A_85] : memref<4x128xi32, #tpu.memory_space<vmem>> -> memref<1x128xi32, #tpu.memory_space<vmem>>
    %dma_start3A_87 = tpu.memref_squeeze %dma_start3A_86 : memref<1x128xi32, #tpu.memory_space<vmem>> -> memref<128xi32, #tpu.memory_space<vmem>>
    %dma_start3A_88 = arith.constant 0 : i32
    %dma_start3A_89 = tpu.memref_slice %arg6[%dma_start3A_88] : memref<1000000xf32, #tpu.memory_space<hbm>> -> memref<1000000xf32, #tpu.memory_space<hbm>>
    tpu.enqueue_indirect_dma source(%dma_start3A_89 : memref<1000000xf32, #tpu.memory_space<hbm>>) target(%dma_start3A_84 : memref<128xf32, #tpu.memory_space<vmem>>) offsets(%dma_start3A_87 : memref<128xi32, #tpu.memory_space<vmem>>) semaphore(%arg19 : memref<!tpu.dma_semaphore, #tpu.memory_space<semaphore_mem>>)
    %dma_start3A_90 = arith.constant 2 : i32
    %dma_start3A_91 = arith.constant 256 : i32
    %dma_start3A_92 = arith.constant 0 : i32
    %dma_start3A_93 = tpu.memref_slice %arg14[%dma_start3A_91, %dma_start3A_92] : memref<512x64xf32, #tpu.memory_space<vmem>> -> memref<128x64xf32, #tpu.memory_space<vmem>>
    %dma_start3A_94 = arith.constant 0 : i32
    %dma_start3A_95 = tpu.memref_slice %arg13[%dma_start3A_90, %dma_start3A_94] : memref<4x128xi32, #tpu.memory_space<vmem>> -> memref<1x128xi32, #tpu.memory_space<vmem>>
    %dma_start3A_96 = tpu.memref_squeeze %dma_start3A_95 : memref<1x128xi32, #tpu.memory_space<vmem>> -> memref<128xi32, #tpu.memory_space<vmem>>
    %dma_start3A_97 = arith.constant 0 : i32
    %dma_start3A_98 = arith.constant 0 : i32
    %dma_start3A_99 = tpu.memref_slice %arg2[%dma_start3A_97, %dma_start3A_98] : memref<1000000x64xf32, #tpu.memory_space<hbm>> -> memref<1000000x64xf32, #tpu.memory_space<hbm>>
    tpu.enqueue_indirect_dma source(%dma_start3A_99 : memref<1000000x64xf32, #tpu.memory_space<hbm>>) target(%dma_start3A_93 : memref<128x64xf32, #tpu.memory_space<vmem>>) offsets(%dma_start3A_96 : memref<128xi32, #tpu.memory_space<vmem>>) semaphore(%arg19 : memref<!tpu.dma_semaphore, #tpu.memory_space<semaphore_mem>>)
    %dma_start3A_100 = arith.constant 2 : i32
    %dma_start3A_101 = arith.constant 256 : i32
    %dma_start3A_102 = tpu.memref_slice %arg15[%dma_start3A_101] : memref<512xi32, #tpu.memory_space<vmem>> -> memref<128xi32, #tpu.memory_space<vmem>>
    %dma_start3A_103 = arith.constant 0 : i32
    %dma_start3A_104 = tpu.memref_slice %arg13[%dma_start3A_100, %dma_start3A_103] : memref<4x128xi32, #tpu.memory_space<vmem>> -> memref<1x128xi32, #tpu.memory_space<vmem>>
    %dma_start3A_105 = tpu.memref_squeeze %dma_start3A_104 : memref<1x128xi32, #tpu.memory_space<vmem>> -> memref<128xi32, #tpu.memory_space<vmem>>
    %dma_start3A_106 = arith.constant 0 : i32
    %dma_start3A_107 = tpu.memref_slice %arg3[%dma_start3A_106] : memref<1000000xi32, #tpu.memory_space<hbm>> -> memref<1000000xi32, #tpu.memory_space<hbm>>
    tpu.enqueue_indirect_dma source(%dma_start3A_107 : memref<1000000xi32, #tpu.memory_space<hbm>>) target(%dma_start3A_102 : memref<128xi32, #tpu.memory_space<vmem>>) offsets(%dma_start3A_105 : memref<128xi32, #tpu.memory_space<vmem>>) semaphore(%arg19 : memref<!tpu.dma_semaphore, #tpu.memory_space<semaphore_mem>>)
    %dma_start3A_108 = arith.constant 2 : i32
    %dma_start3A_109 = arith.constant 256 : i32
    %dma_start3A_110 = tpu.memref_slice %arg16[%dma_start3A_109] : memref<512xf32, #tpu.memory_space<vmem>> -> memref<128xf32, #tpu.memory_space<vmem>>
    %dma_start3A_111 = arith.constant 0 : i32
    %dma_start3A_112 = tpu.memref_slice %arg13[%dma_start3A_108, %dma_start3A_111] : memref<4x128xi32, #tpu.memory_space<vmem>> -> memref<1x128xi32, #tpu.memory_space<vmem>>
    %dma_start3A_113 = tpu.memref_squeeze %dma_start3A_112 : memref<1x128xi32, #tpu.memory_space<vmem>> -> memref<128xi32, #tpu.memory_space<vmem>>
    %dma_start3A_114 = arith.constant 0 : i32
    %dma_start3A_115 = tpu.memref_slice %arg4[%dma_start3A_114] : memref<1000000xf32, #tpu.memory_space<hbm>> -> memref<1000000xf32, #tpu.memory_space<hbm>>
    tpu.enqueue_indirect_dma source(%dma_start3A_115 : memref<1000000xf32, #tpu.memory_space<hbm>>) target(%dma_start3A_110 : memref<128xf32, #tpu.memory_space<vmem>>) offsets(%dma_start3A_113 : memref<128xi32, #tpu.memory_space<vmem>>) semaphore(%arg19 : memref<!tpu.dma_semaphore, #tpu.memory_space<semaphore_mem>>)
    %dma_start3A_116 = arith.constant 2 : i32
    %dma_start3A_117 = arith.constant 256 : i32
    %dma_start3A_118 = arith.constant 0 : i32
    %dma_start3A_119 = tpu.memref_slice %arg17[%dma_start3A_117, %dma_start3A_118] : memref<512x64xf32, #tpu.memory_space<vmem>> -> memref<128x64xf32, #tpu.memory_space<vmem>>
    %dma_start3A_120 = arith.constant 0 : i32
    %dma_start3A_121 = tpu.memref_slice %arg13[%dma_start3A_116, %dma_start3A_120] : memref<4x128xi32, #tpu.memory_space<vmem>> -> memref<1x128xi32, #tpu.memory_space<vmem>>
    %dma_start3A_122 = tpu.memref_squeeze %dma_start3A_121 : memref<1x128xi32, #tpu.memory_space<vmem>> -> memref<128xi32, #tpu.memory_space<vmem>>
    %dma_start3A_123 = arith.constant 0 : i32
    %dma_start3A_124 = arith.constant 0 : i32
    %dma_start3A_125 = tpu.memref_slice %arg5[%dma_start3A_123, %dma_start3A_124] : memref<1000000x64xf32, #tpu.memory_space<hbm>> -> memref<1000000x64xf32, #tpu.memory_space<hbm>>
    tpu.enqueue_indirect_dma source(%dma_start3A_125 : memref<1000000x64xf32, #tpu.memory_space<hbm>>) target(%dma_start3A_119 : memref<128x64xf32, #tpu.memory_space<vmem>>) offsets(%dma_start3A_122 : memref<128xi32, #tpu.memory_space<vmem>>) semaphore(%arg19 : memref<!tpu.dma_semaphore, #tpu.memory_space<semaphore_mem>>)
    %dma_start3A_126 = arith.constant 2 : i32
    %dma_start3A_127 = arith.constant 256 : i32
    %dma_start3A_128 = tpu.memref_slice %arg18[%dma_start3A_127] : memref<512xf32, #tpu.memory_space<vmem>> -> memref<128xf32, #tpu.memory_space<vmem>>
    %dma_start3A_129 = arith.constant 0 : i32
    %dma_start3A_130 = tpu.memref_slice %arg13[%dma_start3A_126, %dma_start3A_129] : memref<4x128xi32, #tpu.memory_space<vmem>> -> memref<1x128xi32, #tpu.memory_space<vmem>>
    %dma_start3A_131 = tpu.memref_squeeze %dma_start3A_130 : memref<1x128xi32, #tpu.memory_space<vmem>> -> memref<128xi32, #tpu.memory_space<vmem>>
    %dma_start3A_132 = arith.constant 0 : i32
    %dma_start3A_133 = tpu.memref_slice %arg6[%dma_start3A_132] : memref<1000000xf32, #tpu.memory_space<hbm>> -> memref<1000000xf32, #tpu.memory_space<hbm>>
    tpu.enqueue_indirect_dma source(%dma_start3A_133 : memref<1000000xf32, #tpu.memory_space<hbm>>) target(%dma_start3A_128 : memref<128xf32, #tpu.memory_space<vmem>>) offsets(%dma_start3A_131 : memref<128xi32, #tpu.memory_space<vmem>>) semaphore(%arg19 : memref<!tpu.dma_semaphore, #tpu.memory_space<semaphore_mem>>)
    %dma_start3A_134 = arith.constant 3 : i32
    %dma_start3A_135 = arith.constant 384 : i32
    %dma_start3A_136 = arith.constant 0 : i32
    %dma_start3A_137 = tpu.memref_slice %arg14[%dma_start3A_135, %dma_start3A_136] : memref<512x64xf32, #tpu.memory_space<vmem>> -> memref<128x64xf32, #tpu.memory_space<vmem>>
    %dma_start3A_138 = arith.constant 0 : i32
    %dma_start3A_139 = tpu.memref_slice %arg13[%dma_start3A_134, %dma_start3A_138] : memref<4x128xi32, #tpu.memory_space<vmem>> -> memref<1x128xi32, #tpu.memory_space<vmem>>
    %dma_start3A_140 = tpu.memref_squeeze %dma_start3A_139 : memref<1x128xi32, #tpu.memory_space<vmem>> -> memref<128xi32, #tpu.memory_space<vmem>>
    %dma_start3A_141 = arith.constant 0 : i32
    %dma_start3A_142 = arith.constant 0 : i32
    %dma_start3A_143 = tpu.memref_slice %arg2[%dma_start3A_141, %dma_start3A_142] : memref<1000000x64xf32, #tpu.memory_space<hbm>> -> memref<1000000x64xf32, #tpu.memory_space<hbm>>
    tpu.enqueue_indirect_dma source(%dma_start3A_143 : memref<1000000x64xf32, #tpu.memory_space<hbm>>) target(%dma_start3A_137 : memref<128x64xf32, #tpu.memory_space<vmem>>) offsets(%dma_start3A_140 : memref<128xi32, #tpu.memory_space<vmem>>) semaphore(%arg19 : memref<!tpu.dma_semaphore, #tpu.memory_space<semaphore_mem>>)
    %dma_start3A_144 = arith.constant 3 : i32
    %dma_start3A_145 = arith.constant 384 : i32
    %dma_start3A_146 = tpu.memref_slice %arg15[%dma_start3A_145] : memref<512xi32, #tpu.memory_space<vmem>> -> memref<128xi32, #tpu.memory_space<vmem>>
    %dma_start3A_147 = arith.constant 0 : i32
    %dma_start3A_148 = tpu.memref_slice %arg13[%dma_start3A_144, %dma_start3A_147] : memref<4x128xi32, #tpu.memory_space<vmem>> -> memref<1x128xi32, #tpu.memory_space<vmem>>
    %dma_start3A_149 = tpu.memref_squeeze %dma_start3A_148 : memref<1x128xi32, #tpu.memory_space<vmem>> -> memref<128xi32, #tpu.memory_space<vmem>>
    %dma_start3A_150 = arith.constant 0 : i32
    %dma_start3A_151 = tpu.memref_slice %arg3[%dma_start3A_150] : memref<1000000xi32, #tpu.memory_space<hbm>> -> memref<1000000xi32, #tpu.memory_space<hbm>>
    tpu.enqueue_indirect_dma source(%dma_start3A_151 : memref<1000000xi32, #tpu.memory_space<hbm>>) target(%dma_start3A_146 : memref<128xi32, #tpu.memory_space<vmem>>) offsets(%dma_start3A_149 : memref<128xi32, #tpu.memory_space<vmem>>) semaphore(%arg19 : memref<!tpu.dma_semaphore, #tpu.memory_space<semaphore_mem>>)
    %dma_start3A_152 = arith.constant 3 : i32
    %dma_start3A_153 = arith.constant 384 : i32
    %dma_start3A_154 = tpu.memref_slice %arg16[%dma_start3A_153] : memref<512xf32, #tpu.memory_space<vmem>> -> memref<128xf32, #tpu.memory_space<vmem>>
    %dma_start3A_155 = arith.constant 0 : i32
    %dma_start3A_156 = tpu.memref_slice %arg13[%dma_start3A_152, %dma_start3A_155] : memref<4x128xi32, #tpu.memory_space<vmem>> -> memref<1x128xi32, #tpu.memory_space<vmem>>
    %dma_start3A_157 = tpu.memref_squeeze %dma_start3A_156 : memref<1x128xi32, #tpu.memory_space<vmem>> -> memref<128xi32, #tpu.memory_space<vmem>>
    %dma_start3A_158 = arith.constant 0 : i32
    %dma_start3A_159 = tpu.memref_slice %arg4[%dma_start3A_158] : memref<1000000xf32, #tpu.memory_space<hbm>> -> memref<1000000xf32, #tpu.memory_space<hbm>>
    tpu.enqueue_indirect_dma source(%dma_start3A_159 : memref<1000000xf32, #tpu.memory_space<hbm>>) target(%dma_start3A_154 : memref<128xf32, #tpu.memory_space<vmem>>) offsets(%dma_start3A_157 : memref<128xi32, #tpu.memory_space<vmem>>) semaphore(%arg19 : memref<!tpu.dma_semaphore, #tpu.memory_space<semaphore_mem>>)
    %dma_start3A_160 = arith.constant 3 : i32
    %dma_start3A_161 = arith.constant 384 : i32
    %dma_start3A_162 = arith.constant 0 : i32
    %dma_start3A_163 = tpu.memref_slice %arg17[%dma_start3A_161, %dma_start3A_162] : memref<512x64xf32, #tpu.memory_space<vmem>> -> memref<128x64xf32, #tpu.memory_space<vmem>>
    %dma_start3A_164 = arith.constant 0 : i32
    %dma_start3A_165 = tpu.memref_slice %arg13[%dma_start3A_160, %dma_start3A_164] : memref<4x128xi32, #tpu.memory_space<vmem>> -> memref<1x128xi32, #tpu.memory_space<vmem>>
    %dma_start3A_166 = tpu.memref_squeeze %dma_start3A_165 : memref<1x128xi32, #tpu.memory_space<vmem>> -> memref<128xi32, #tpu.memory_space<vmem>>
    %dma_start3A_167 = arith.constant 0 : i32
    %dma_start3A_168 = arith.constant 0 : i32
    %dma_start3A_169 = tpu.memref_slice %arg5[%dma_start3A_167, %dma_start3A_168] : memref<1000000x64xf32, #tpu.memory_space<hbm>> -> memref<1000000x64xf32, #tpu.memory_space<hbm>>
    tpu.enqueue_indirect_dma source(%dma_start3A_169 : memref<1000000x64xf32, #tpu.memory_space<hbm>>) target(%dma_start3A_163 : memref<128x64xf32, #tpu.memory_space<vmem>>) offsets(%dma_start3A_166 : memref<128xi32, #tpu.memory_space<vmem>>) semaphore(%arg19 : memref<!tpu.dma_semaphore, #tpu.memory_space<semaphore_mem>>)
    %dma_start3A_170 = arith.constant 3 : i32
    %dma_start3A_171 = arith.constant 384 : i32
    %dma_start3A_172 = tpu.memref_slice %arg18[%dma_start3A_171] : memref<512xf32, #tpu.memory_space<vmem>> -> memref<128xf32, #tpu.memory_space<vmem>>
    %dma_start3A_173 = arith.constant 0 : i32
    %dma_start3A_174 = tpu.memref_slice %arg13[%dma_start3A_170, %dma_start3A_173] : memref<4x128xi32, #tpu.memory_space<vmem>> -> memref<1x128xi32, #tpu.memory_space<vmem>>
    %dma_start3A_175 = tpu.memref_squeeze %dma_start3A_174 : memref<1x128xi32, #tpu.memory_space<vmem>> -> memref<128xi32, #tpu.memory_space<vmem>>
    %dma_start3A_176 = arith.constant 0 : i32
    %dma_start3A_177 = tpu.memref_slice %arg6[%dma_start3A_176] : memref<1000000xf32, #tpu.memory_space<hbm>> -> memref<1000000xf32, #tpu.memory_space<hbm>>
    tpu.enqueue_indirect_dma source(%dma_start3A_177 : memref<1000000xf32, #tpu.memory_space<hbm>>) target(%dma_start3A_172 : memref<128xf32, #tpu.memory_space<vmem>>) offsets(%dma_start3A_175 : memref<128xi32, #tpu.memory_space<vmem>>) semaphore(%arg19 : memref<!tpu.dma_semaphore, #tpu.memory_space<semaphore_mem>>)
    %dma_wait3A = arith.constant 0 : i32
    %dma_wait3A_178 = arith.constant 0 : i32
    %dma_wait3A_179 = arith.constant 0 : i32
    %dma_wait3A_180 = tpu.memref_slice %arg14[%dma_wait3A_178, %dma_wait3A_179] : memref<512x64xf32, #tpu.memory_space<vmem>> -> memref<128x64xf32, #tpu.memory_space<vmem>>
    %dma_wait3A_181 = arith.constant 0 : i32
    %dma_wait3A_182 = tpu.memref_slice %arg13[%dma_wait3A, %dma_wait3A_181] : memref<4x128xi32, #tpu.memory_space<vmem>> -> memref<1x128xi32, #tpu.memory_space<vmem>>
    %dma_wait3A_183 = tpu.memref_squeeze %dma_wait3A_182 : memref<1x128xi32, #tpu.memory_space<vmem>> -> memref<128xi32, #tpu.memory_space<vmem>>
    %dma_wait3A_184 = arith.constant 0 : i32
    %dma_wait3A_185 = arith.constant 0 : i32
    %dma_wait3A_186 = tpu.memref_slice %arg2[%dma_wait3A_184, %dma_wait3A_185] : memref<1000000x64xf32, #tpu.memory_space<hbm>> -> memref<1000000x64xf32, #tpu.memory_space<hbm>>
    tpu.wait_indirect_dma semaphore(%arg19 : memref<!tpu.dma_semaphore, #tpu.memory_space<semaphore_mem>>) src(%dma_wait3A_186 : memref<1000000x64xf32, #tpu.memory_space<hbm>>) dst(%dma_wait3A_180 : memref<128x64xf32, #tpu.memory_space<vmem>>)
    %dma_wait3A_187 = arith.constant 0 : i32
    %dma_wait3A_188 = arith.constant 0 : i32
    %dma_wait3A_189 = tpu.memref_slice %arg15[%dma_wait3A_188] : memref<512xi32, #tpu.memory_space<vmem>> -> memref<128xi32, #tpu.memory_space<vmem>>
    %dma_wait3A_190 = arith.constant 0 : i32
    %dma_wait3A_191 = tpu.memref_slice %arg13[%dma_wait3A_187, %dma_wait3A_190] : memref<4x128xi32, #tpu.memory_space<vmem>> -> memref<1x128xi32, #tpu.memory_space<vmem>>
    %dma_wait3A_192 = tpu.memref_squeeze %dma_wait3A_191 : memref<1x128xi32, #tpu.memory_space<vmem>> -> memref<128xi32, #tpu.memory_space<vmem>>
    %dma_wait3A_193 = arith.constant 0 : i32
    %dma_wait3A_194 = tpu.memref_slice %arg3[%dma_wait3A_193] : memref<1000000xi32, #tpu.memory_space<hbm>> -> memref<1000000xi32, #tpu.memory_space<hbm>>
    tpu.wait_indirect_dma semaphore(%arg19 : memref<!tpu.dma_semaphore, #tpu.memory_space<semaphore_mem>>) src(%dma_wait3A_194 : memref<1000000xi32, #tpu.memory_space<hbm>>) dst(%dma_wait3A_189 : memref<128xi32, #tpu.memory_space<vmem>>)
    %dma_wait3A_195 = arith.constant 0 : i32
    %dma_wait3A_196 = arith.constant 0 : i32
    %dma_wait3A_197 = tpu.memref_slice %arg16[%dma_wait3A_196] : memref<512xf32, #tpu.memory_space<vmem>> -> memref<128xf32, #tpu.memory_space<vmem>>
    %dma_wait3A_198 = arith.constant 0 : i32
    %dma_wait3A_199 = tpu.memref_slice %arg13[%dma_wait3A_195, %dma_wait3A_198] : memref<4x128xi32, #tpu.memory_space<vmem>> -> memref<1x128xi32, #tpu.memory_space<vmem>>
    %dma_wait3A_200 = tpu.memref_squeeze %dma_wait3A_199 : memref<1x128xi32, #tpu.memory_space<vmem>> -> memref<128xi32, #tpu.memory_space<vmem>>
    %dma_wait3A_201 = arith.constant 0 : i32
    %dma_wait3A_202 = tpu.memref_slice %arg4[%dma_wait3A_201] : memref<1000000xf32, #tpu.memory_space<hbm>> -> memref<1000000xf32, #tpu.memory_space<hbm>>
    tpu.wait_indirect_dma semaphore(%arg19 : memref<!tpu.dma_semaphore, #tpu.memory_space<semaphore_mem>>) src(%dma_wait3A_202 : memref<1000000xf32, #tpu.memory_space<hbm>>) dst(%dma_wait3A_197 : memref<128xf32, #tpu.memory_space<vmem>>)
    %dma_wait3A_203 = arith.constant 0 : i32
    %dma_wait3A_204 = arith.constant 0 : i32
    %dma_wait3A_205 = arith.constant 0 : i32
    %dma_wait3A_206 = tpu.memref_slice %arg17[%dma_wait3A_204, %dma_wait3A_205] : memref<512x64xf32, #tpu.memory_space<vmem>> -> memref<128x64xf32, #tpu.memory_space<vmem>>
    %dma_wait3A_207 = arith.constant 0 : i32
    %dma_wait3A_208 = tpu.memref_slice %arg13[%dma_wait3A_203, %dma_wait3A_207] : memref<4x128xi32, #tpu.memory_space<vmem>> -> memref<1x128xi32, #tpu.memory_space<vmem>>
    %dma_wait3A_209 = tpu.memref_squeeze %dma_wait3A_208 : memref<1x128xi32, #tpu.memory_space<vmem>> -> memref<128xi32, #tpu.memory_space<vmem>>
    %dma_wait3A_210 = arith.constant 0 : i32
    %dma_wait3A_211 = arith.constant 0 : i32
    %dma_wait3A_212 = tpu.memref_slice %arg5[%dma_wait3A_210, %dma_wait3A_211] : memref<1000000x64xf32, #tpu.memory_space<hbm>> -> memref<1000000x64xf32, #tpu.memory_space<hbm>>
    tpu.wait_indirect_dma semaphore(%arg19 : memref<!tpu.dma_semaphore, #tpu.memory_space<semaphore_mem>>) src(%dma_wait3A_212 : memref<1000000x64xf32, #tpu.memory_space<hbm>>) dst(%dma_wait3A_206 : memref<128x64xf32, #tpu.memory_space<vmem>>)
    %dma_wait3A_213 = arith.constant 0 : i32
    %dma_wait3A_214 = arith.constant 0 : i32
    %dma_wait3A_215 = tpu.memref_slice %arg18[%dma_wait3A_214] : memref<512xf32, #tpu.memory_space<vmem>> -> memref<128xf32, #tpu.memory_space<vmem>>
    %dma_wait3A_216 = arith.constant 0 : i32
    %dma_wait3A_217 = tpu.memref_slice %arg13[%dma_wait3A_213, %dma_wait3A_216] : memref<4x128xi32, #tpu.memory_space<vmem>> -> memref<1x128xi32, #tpu.memory_space<vmem>>
    %dma_wait3A_218 = tpu.memref_squeeze %dma_wait3A_217 : memref<1x128xi32, #tpu.memory_space<vmem>> -> memref<128xi32, #tpu.memory_space<vmem>>
    %dma_wait3A_219 = arith.constant 0 : i32
    %dma_wait3A_220 = tpu.memref_slice %arg6[%dma_wait3A_219] : memref<1000000xf32, #tpu.memory_space<hbm>> -> memref<1000000xf32, #tpu.memory_space<hbm>>
    tpu.wait_indirect_dma semaphore(%arg19 : memref<!tpu.dma_semaphore, #tpu.memory_space<semaphore_mem>>) src(%dma_wait3A_220 : memref<1000000xf32, #tpu.memory_space<hbm>>) dst(%dma_wait3A_215 : memref<128xf32, #tpu.memory_space<vmem>>)
    %dma_wait3A_221 = arith.constant 1 : i32
    %dma_wait3A_222 = arith.constant 128 : i32
    %dma_wait3A_223 = arith.constant 0 : i32
    %dma_wait3A_224 = tpu.memref_slice %arg14[%dma_wait3A_222, %dma_wait3A_223] : memref<512x64xf32, #tpu.memory_space<vmem>> -> memref<128x64xf32, #tpu.memory_space<vmem>>
    %dma_wait3A_225 = arith.constant 0 : i32
    %dma_wait3A_226 = tpu.memref_slice %arg13[%dma_wait3A_221, %dma_wait3A_225] : memref<4x128xi32, #tpu.memory_space<vmem>> -> memref<1x128xi32, #tpu.memory_space<vmem>>
    %dma_wait3A_227 = tpu.memref_squeeze %dma_wait3A_226 : memref<1x128xi32, #tpu.memory_space<vmem>> -> memref<128xi32, #tpu.memory_space<vmem>>
    %dma_wait3A_228 = arith.constant 0 : i32
    %dma_wait3A_229 = arith.constant 0 : i32
    %dma_wait3A_230 = tpu.memref_slice %arg2[%dma_wait3A_228, %dma_wait3A_229] : memref<1000000x64xf32, #tpu.memory_space<hbm>> -> memref<1000000x64xf32, #tpu.memory_space<hbm>>
    tpu.wait_indirect_dma semaphore(%arg19 : memref<!tpu.dma_semaphore, #tpu.memory_space<semaphore_mem>>) src(%dma_wait3A_230 : memref<1000000x64xf32, #tpu.memory_space<hbm>>) dst(%dma_wait3A_224 : memref<128x64xf32, #tpu.memory_space<vmem>>)
    %dma_wait3A_231 = arith.constant 1 : i32
    %dma_wait3A_232 = arith.constant 128 : i32
    %dma_wait3A_233 = tpu.memref_slice %arg15[%dma_wait3A_232] : memref<512xi32, #tpu.memory_space<vmem>> -> memref<128xi32, #tpu.memory_space<vmem>>
    %dma_wait3A_234 = arith.constant 0 : i32
    %dma_wait3A_235 = tpu.memref_slice %arg13[%dma_wait3A_231, %dma_wait3A_234] : memref<4x128xi32, #tpu.memory_space<vmem>> -> memref<1x128xi32, #tpu.memory_space<vmem>>
    %dma_wait3A_236 = tpu.memref_squeeze %dma_wait3A_235 : memref<1x128xi32, #tpu.memory_space<vmem>> -> memref<128xi32, #tpu.memory_space<vmem>>
    %dma_wait3A_237 = arith.constant 0 : i32
    %dma_wait3A_238 = tpu.memref_slice %arg3[%dma_wait3A_237] : memref<1000000xi32, #tpu.memory_space<hbm>> -> memref<1000000xi32, #tpu.memory_space<hbm>>
    tpu.wait_indirect_dma semaphore(%arg19 : memref<!tpu.dma_semaphore, #tpu.memory_space<semaphore_mem>>) src(%dma_wait3A_238 : memref<1000000xi32, #tpu.memory_space<hbm>>) dst(%dma_wait3A_233 : memref<128xi32, #tpu.memory_space<vmem>>)
    %dma_wait3A_239 = arith.constant 1 : i32
    %dma_wait3A_240 = arith.constant 128 : i32
    %dma_wait3A_241 = tpu.memref_slice %arg16[%dma_wait3A_240] : memref<512xf32, #tpu.memory_space<vmem>> -> memref<128xf32, #tpu.memory_space<vmem>>
    %dma_wait3A_242 = arith.constant 0 : i32
    %dma_wait3A_243 = tpu.memref_slice %arg13[%dma_wait3A_239, %dma_wait3A_242] : memref<4x128xi32, #tpu.memory_space<vmem>> -> memref<1x128xi32, #tpu.memory_space<vmem>>
    %dma_wait3A_244 = tpu.memref_squeeze %dma_wait3A_243 : memref<1x128xi32, #tpu.memory_space<vmem>> -> memref<128xi32, #tpu.memory_space<vmem>>
    %dma_wait3A_245 = arith.constant 0 : i32
    %dma_wait3A_246 = tpu.memref_slice %arg4[%dma_wait3A_245] : memref<1000000xf32, #tpu.memory_space<hbm>> -> memref<1000000xf32, #tpu.memory_space<hbm>>
    tpu.wait_indirect_dma semaphore(%arg19 : memref<!tpu.dma_semaphore, #tpu.memory_space<semaphore_mem>>) src(%dma_wait3A_246 : memref<1000000xf32, #tpu.memory_space<hbm>>) dst(%dma_wait3A_241 : memref<128xf32, #tpu.memory_space<vmem>>)
    %dma_wait3A_247 = arith.constant 1 : i32
    %dma_wait3A_248 = arith.constant 128 : i32
    %dma_wait3A_249 = arith.constant 0 : i32
    %dma_wait3A_250 = tpu.memref_slice %arg17[%dma_wait3A_248, %dma_wait3A_249] : memref<512x64xf32, #tpu.memory_space<vmem>> -> memref<128x64xf32, #tpu.memory_space<vmem>>
    %dma_wait3A_251 = arith.constant 0 : i32
    %dma_wait3A_252 = tpu.memref_slice %arg13[%dma_wait3A_247, %dma_wait3A_251] : memref<4x128xi32, #tpu.memory_space<vmem>> -> memref<1x128xi32, #tpu.memory_space<vmem>>
    %dma_wait3A_253 = tpu.memref_squeeze %dma_wait3A_252 : memref<1x128xi32, #tpu.memory_space<vmem>> -> memref<128xi32, #tpu.memory_space<vmem>>
    %dma_wait3A_254 = arith.constant 0 : i32
    %dma_wait3A_255 = arith.constant 0 : i32
    %dma_wait3A_256 = tpu.memref_slice %arg5[%dma_wait3A_254, %dma_wait3A_255] : memref<1000000x64xf32, #tpu.memory_space<hbm>> -> memref<1000000x64xf32, #tpu.memory_space<hbm>>
    tpu.wait_indirect_dma semaphore(%arg19 : memref<!tpu.dma_semaphore, #tpu.memory_space<semaphore_mem>>) src(%dma_wait3A_256 : memref<1000000x64xf32, #tpu.memory_space<hbm>>) dst(%dma_wait3A_250 : memref<128x64xf32, #tpu.memory_space<vmem>>)
    %dma_wait3A_257 = arith.constant 1 : i32
    %dma_wait3A_258 = arith.constant 128 : i32
    %dma_wait3A_259 = tpu.memref_slice %arg18[%dma_wait3A_258] : memref<512xf32, #tpu.memory_space<vmem>> -> memref<128xf32, #tpu.memory_space<vmem>>
    %dma_wait3A_260 = arith.constant 0 : i32
    %dma_wait3A_261 = tpu.memref_slice %arg13[%dma_wait3A_257, %dma_wait3A_260] : memref<4x128xi32, #tpu.memory_space<vmem>> -> memref<1x128xi32, #tpu.memory_space<vmem>>
    %dma_wait3A_262 = tpu.memref_squeeze %dma_wait3A_261 : memref<1x128xi32, #tpu.memory_space<vmem>> -> memref<128xi32, #tpu.memory_space<vmem>>
    %dma_wait3A_263 = arith.constant 0 : i32
    %dma_wait3A_264 = tpu.memref_slice %arg6[%dma_wait3A_263] : memref<1000000xf32, #tpu.memory_space<hbm>> -> memref<1000000xf32, #tpu.memory_space<hbm>>
    tpu.wait_indirect_dma semaphore(%arg19 : memref<!tpu.dma_semaphore, #tpu.memory_space<semaphore_mem>>) src(%dma_wait3A_264 : memref<1000000xf32, #tpu.memory_space<hbm>>) dst(%dma_wait3A_259 : memref<128xf32, #tpu.memory_space<vmem>>)
    %dma_wait3A_265 = arith.constant 2 : i32
    %dma_wait3A_266 = arith.constant 256 : i32
    %dma_wait3A_267 = arith.constant 0 : i32
    %dma_wait3A_268 = tpu.memref_slice %arg14[%dma_wait3A_266, %dma_wait3A_267] : memref<512x64xf32, #tpu.memory_space<vmem>> -> memref<128x64xf32, #tpu.memory_space<vmem>>
    %dma_wait3A_269 = arith.constant 0 : i32
    %dma_wait3A_270 = tpu.memref_slice %arg13[%dma_wait3A_265, %dma_wait3A_269] : memref<4x128xi32, #tpu.memory_space<vmem>> -> memref<1x128xi32, #tpu.memory_space<vmem>>
    %dma_wait3A_271 = tpu.memref_squeeze %dma_wait3A_270 : memref<1x128xi32, #tpu.memory_space<vmem>> -> memref<128xi32, #tpu.memory_space<vmem>>
    %dma_wait3A_272 = arith.constant 0 : i32
    %dma_wait3A_273 = arith.constant 0 : i32
    %dma_wait3A_274 = tpu.memref_slice %arg2[%dma_wait3A_272, %dma_wait3A_273] : memref<1000000x64xf32, #tpu.memory_space<hbm>> -> memref<1000000x64xf32, #tpu.memory_space<hbm>>
    tpu.wait_indirect_dma semaphore(%arg19 : memref<!tpu.dma_semaphore, #tpu.memory_space<semaphore_mem>>) src(%dma_wait3A_274 : memref<1000000x64xf32, #tpu.memory_space<hbm>>) dst(%dma_wait3A_268 : memref<128x64xf32, #tpu.memory_space<vmem>>)
    %dma_wait3A_275 = arith.constant 2 : i32
    %dma_wait3A_276 = arith.constant 256 : i32
    %dma_wait3A_277 = tpu.memref_slice %arg15[%dma_wait3A_276] : memref<512xi32, #tpu.memory_space<vmem>> -> memref<128xi32, #tpu.memory_space<vmem>>
    %dma_wait3A_278 = arith.constant 0 : i32
    %dma_wait3A_279 = tpu.memref_slice %arg13[%dma_wait3A_275, %dma_wait3A_278] : memref<4x128xi32, #tpu.memory_space<vmem>> -> memref<1x128xi32, #tpu.memory_space<vmem>>
    %dma_wait3A_280 = tpu.memref_squeeze %dma_wait3A_279 : memref<1x128xi32, #tpu.memory_space<vmem>> -> memref<128xi32, #tpu.memory_space<vmem>>
    %dma_wait3A_281 = arith.constant 0 : i32
    %dma_wait3A_282 = tpu.memref_slice %arg3[%dma_wait3A_281] : memref<1000000xi32, #tpu.memory_space<hbm>> -> memref<1000000xi32, #tpu.memory_space<hbm>>
    tpu.wait_indirect_dma semaphore(%arg19 : memref<!tpu.dma_semaphore, #tpu.memory_space<semaphore_mem>>) src(%dma_wait3A_282 : memref<1000000xi32, #tpu.memory_space<hbm>>) dst(%dma_wait3A_277 : memref<128xi32, #tpu.memory_space<vmem>>)
    %dma_wait3A_283 = arith.constant 2 : i32
    %dma_wait3A_284 = arith.constant 256 : i32
    %dma_wait3A_285 = tpu.memref_slice %arg16[%dma_wait3A_284] : memref<512xf32, #tpu.memory_space<vmem>> -> memref<128xf32, #tpu.memory_space<vmem>>
    %dma_wait3A_286 = arith.constant 0 : i32
    %dma_wait3A_287 = tpu.memref_slice %arg13[%dma_wait3A_283, %dma_wait3A_286] : memref<4x128xi32, #tpu.memory_space<vmem>> -> memref<1x128xi32, #tpu.memory_space<vmem>>
    %dma_wait3A_288 = tpu.memref_squeeze %dma_wait3A_287 : memref<1x128xi32, #tpu.memory_space<vmem>> -> memref<128xi32, #tpu.memory_space<vmem>>
    %dma_wait3A_289 = arith.constant 0 : i32
    %dma_wait3A_290 = tpu.memref_slice %arg4[%dma_wait3A_289] : memref<1000000xf32, #tpu.memory_space<hbm>> -> memref<1000000xf32, #tpu.memory_space<hbm>>
    tpu.wait_indirect_dma semaphore(%arg19 : memref<!tpu.dma_semaphore, #tpu.memory_space<semaphore_mem>>) src(%dma_wait3A_290 : memref<1000000xf32, #tpu.memory_space<hbm>>) dst(%dma_wait3A_285 : memref<128xf32, #tpu.memory_space<vmem>>)
    %dma_wait3A_291 = arith.constant 2 : i32
    %dma_wait3A_292 = arith.constant 256 : i32
    %dma_wait3A_293 = arith.constant 0 : i32
    %dma_wait3A_294 = tpu.memref_slice %arg17[%dma_wait3A_292, %dma_wait3A_293] : memref<512x64xf32, #tpu.memory_space<vmem>> -> memref<128x64xf32, #tpu.memory_space<vmem>>
    %dma_wait3A_295 = arith.constant 0 : i32
    %dma_wait3A_296 = tpu.memref_slice %arg13[%dma_wait3A_291, %dma_wait3A_295] : memref<4x128xi32, #tpu.memory_space<vmem>> -> memref<1x128xi32, #tpu.memory_space<vmem>>
    %dma_wait3A_297 = tpu.memref_squeeze %dma_wait3A_296 : memref<1x128xi32, #tpu.memory_space<vmem>> -> memref<128xi32, #tpu.memory_space<vmem>>
    %dma_wait3A_298 = arith.constant 0 : i32
    %dma_wait3A_299 = arith.constant 0 : i32
    %dma_wait3A_300 = tpu.memref_slice %arg5[%dma_wait3A_298, %dma_wait3A_299] : memref<1000000x64xf32, #tpu.memory_space<hbm>> -> memref<1000000x64xf32, #tpu.memory_space<hbm>>
    tpu.wait_indirect_dma semaphore(%arg19 : memref<!tpu.dma_semaphore, #tpu.memory_space<semaphore_mem>>) src(%dma_wait3A_300 : memref<1000000x64xf32, #tpu.memory_space<hbm>>) dst(%dma_wait3A_294 : memref<128x64xf32, #tpu.memory_space<vmem>>)
    %dma_wait3A_301 = arith.constant 2 : i32
    %dma_wait3A_302 = arith.constant 256 : i32
    %dma_wait3A_303 = tpu.memref_slice %arg18[%dma_wait3A_302] : memref<512xf32, #tpu.memory_space<vmem>> -> memref<128xf32, #tpu.memory_space<vmem>>
    %dma_wait3A_304 = arith.constant 0 : i32
    %dma_wait3A_305 = tpu.memref_slice %arg13[%dma_wait3A_301, %dma_wait3A_304] : memref<4x128xi32, #tpu.memory_space<vmem>> -> memref<1x128xi32, #tpu.memory_space<vmem>>
    %dma_wait3A_306 = tpu.memref_squeeze %dma_wait3A_305 : memref<1x128xi32, #tpu.memory_space<vmem>> -> memref<128xi32, #tpu.memory_space<vmem>>
    %dma_wait3A_307 = arith.constant 0 : i32
    %dma_wait3A_308 = tpu.memref_slice %arg6[%dma_wait3A_307] : memref<1000000xf32, #tpu.memory_space<hbm>> -> memref<1000000xf32, #tpu.memory_space<hbm>>
    tpu.wait_indirect_dma semaphore(%arg19 : memref<!tpu.dma_semaphore, #tpu.memory_space<semaphore_mem>>) src(%dma_wait3A_308 : memref<1000000xf32, #tpu.memory_space<hbm>>) dst(%dma_wait3A_303 : memref<128xf32, #tpu.memory_space<vmem>>)
    %dma_wait3A_309 = arith.constant 3 : i32
    %dma_wait3A_310 = arith.constant 384 : i32
    %dma_wait3A_311 = arith.constant 0 : i32
    %dma_wait3A_312 = tpu.memref_slice %arg14[%dma_wait3A_310, %dma_wait3A_311] : memref<512x64xf32, #tpu.memory_space<vmem>> -> memref<128x64xf32, #tpu.memory_space<vmem>>
    %dma_wait3A_313 = arith.constant 0 : i32
    %dma_wait3A_314 = tpu.memref_slice %arg13[%dma_wait3A_309, %dma_wait3A_313] : memref<4x128xi32, #tpu.memory_space<vmem>> -> memref<1x128xi32, #tpu.memory_space<vmem>>
    %dma_wait3A_315 = tpu.memref_squeeze %dma_wait3A_314 : memref<1x128xi32, #tpu.memory_space<vmem>> -> memref<128xi32, #tpu.memory_space<vmem>>
    %dma_wait3A_316 = arith.constant 0 : i32
    %dma_wait3A_317 = arith.constant 0 : i32
    %dma_wait3A_318 = tpu.memref_slice %arg2[%dma_wait3A_316, %dma_wait3A_317] : memref<1000000x64xf32, #tpu.memory_space<hbm>> -> memref<1000000x64xf32, #tpu.memory_space<hbm>>
    tpu.wait_indirect_dma semaphore(%arg19 : memref<!tpu.dma_semaphore, #tpu.memory_space<semaphore_mem>>) src(%dma_wait3A_318 : memref<1000000x64xf32, #tpu.memory_space<hbm>>) dst(%dma_wait3A_312 : memref<128x64xf32, #tpu.memory_space<vmem>>)
    %dma_wait3A_319 = arith.constant 3 : i32
    %dma_wait3A_320 = arith.constant 384 : i32
    %dma_wait3A_321 = tpu.memref_slice %arg15[%dma_wait3A_320] : memref<512xi32, #tpu.memory_space<vmem>> -> memref<128xi32, #tpu.memory_space<vmem>>
    %dma_wait3A_322 = arith.constant 0 : i32
    %dma_wait3A_323 = tpu.memref_slice %arg13[%dma_wait3A_319, %dma_wait3A_322] : memref<4x128xi32, #tpu.memory_space<vmem>> -> memref<1x128xi32, #tpu.memory_space<vmem>>
    %dma_wait3A_324 = tpu.memref_squeeze %dma_wait3A_323 : memref<1x128xi32, #tpu.memory_space<vmem>> -> memref<128xi32, #tpu.memory_space<vmem>>
    %dma_wait3A_325 = arith.constant 0 : i32
    %dma_wait3A_326 = tpu.memref_slice %arg3[%dma_wait3A_325] : memref<1000000xi32, #tpu.memory_space<hbm>> -> memref<1000000xi32, #tpu.memory_space<hbm>>
    tpu.wait_indirect_dma semaphore(%arg19 : memref<!tpu.dma_semaphore, #tpu.memory_space<semaphore_mem>>) src(%dma_wait3A_326 : memref<1000000xi32, #tpu.memory_space<hbm>>) dst(%dma_wait3A_321 : memref<128xi32, #tpu.memory_space<vmem>>)
    %dma_wait3A_327 = arith.constant 3 : i32
    %dma_wait3A_328 = arith.constant 384 : i32
    %dma_wait3A_329 = tpu.memref_slice %arg16[%dma_wait3A_328] : memref<512xf32, #tpu.memory_space<vmem>> -> memref<128xf32, #tpu.memory_space<vmem>>
    %dma_wait3A_330 = arith.constant 0 : i32
    %dma_wait3A_331 = tpu.memref_slice %arg13[%dma_wait3A_327, %dma_wait3A_330] : memref<4x128xi32, #tpu.memory_space<vmem>> -> memref<1x128xi32, #tpu.memory_space<vmem>>
    %dma_wait3A_332 = tpu.memref_squeeze %dma_wait3A_331 : memref<1x128xi32, #tpu.memory_space<vmem>> -> memref<128xi32, #tpu.memory_space<vmem>>
    %dma_wait3A_333 = arith.constant 0 : i32
    %dma_wait3A_334 = tpu.memref_slice %arg4[%dma_wait3A_333] : memref<1000000xf32, #tpu.memory_space<hbm>> -> memref<1000000xf32, #tpu.memory_space<hbm>>
    tpu.wait_indirect_dma semaphore(%arg19 : memref<!tpu.dma_semaphore, #tpu.memory_space<semaphore_mem>>) src(%dma_wait3A_334 : memref<1000000xf32, #tpu.memory_space<hbm>>) dst(%dma_wait3A_329 : memref<128xf32, #tpu.memory_space<vmem>>)
    %dma_wait3A_335 = arith.constant 3 : i32
    %dma_wait3A_336 = arith.constant 384 : i32
    %dma_wait3A_337 = arith.constant 0 : i32
    %dma_wait3A_338 = tpu.memref_slice %arg17[%dma_wait3A_336, %dma_wait3A_337] : memref<512x64xf32, #tpu.memory_space<vmem>> -> memref<128x64xf32, #tpu.memory_space<vmem>>
    %dma_wait3A_339 = arith.constant 0 : i32
    %dma_wait3A_340 = tpu.memref_slice %arg13[%dma_wait3A_335, %dma_wait3A_339] : memref<4x128xi32, #tpu.memory_space<vmem>> -> memref<1x128xi32, #tpu.memory_space<vmem>>
    %dma_wait3A_341 = tpu.memref_squeeze %dma_wait3A_340 : memref<1x128xi32, #tpu.memory_space<vmem>> -> memref<128xi32, #tpu.memory_space<vmem>>
    %dma_wait3A_342 = arith.constant 0 : i32
    %dma_wait3A_343 = arith.constant 0 : i32
    %dma_wait3A_344 = tpu.memref_slice %arg5[%dma_wait3A_342, %dma_wait3A_343] : memref<1000000x64xf32, #tpu.memory_space<hbm>> -> memref<1000000x64xf32, #tpu.memory_space<hbm>>
    tpu.wait_indirect_dma semaphore(%arg19 : memref<!tpu.dma_semaphore, #tpu.memory_space<semaphore_mem>>) src(%dma_wait3A_344 : memref<1000000x64xf32, #tpu.memory_space<hbm>>) dst(%dma_wait3A_338 : memref<128x64xf32, #tpu.memory_space<vmem>>)
    %dma_wait3A_345 = arith.constant 3 : i32
    %dma_wait3A_346 = arith.constant 384 : i32
    %dma_wait3A_347 = tpu.memref_slice %arg18[%dma_wait3A_346] : memref<512xf32, #tpu.memory_space<vmem>> -> memref<128xf32, #tpu.memory_space<vmem>>
    %dma_wait3A_348 = arith.constant 0 : i32
    %dma_wait3A_349 = tpu.memref_slice %arg13[%dma_wait3A_345, %dma_wait3A_348] : memref<4x128xi32, #tpu.memory_space<vmem>> -> memref<1x128xi32, #tpu.memory_space<vmem>>
    %dma_wait3A_350 = tpu.memref_squeeze %dma_wait3A_349 : memref<1x128xi32, #tpu.memory_space<vmem>> -> memref<128xi32, #tpu.memory_space<vmem>>
    %dma_wait3A_351 = arith.constant 0 : i32
    %dma_wait3A_352 = tpu.memref_slice %arg6[%dma_wait3A_351] : memref<1000000xf32, #tpu.memory_space<hbm>> -> memref<1000000xf32, #tpu.memory_space<hbm>>
    tpu.wait_indirect_dma semaphore(%arg19 : memref<!tpu.dma_semaphore, #tpu.memory_space<semaphore_mem>>) src(%dma_wait3A_352 : memref<1000000xf32, #tpu.memory_space<hbm>>) dst(%dma_wait3A_347 : memref<128xf32, #tpu.memory_space<vmem>>)
    "tpu.region"() ({
      %run_scoped3A = tpu.sem_alloc : memref<!tpu.dma_semaphore, #tpu.memory_space<semaphore_mem>>
      %dma_start3A_353 = arith.constant 0 : i32
      %dma_start3A_354 = tpu.memref_slice %arg8[%mul3A_2, %dma_start3A_353] : memref<16384x64xf32, #tpu.memory_space<hbm>> -> memref<512x64xf32, #tpu.memory_space<hbm>>
      %dma_start3A_355 = arith.constant 0 : i32
      %dma_start3A_356 = tpu.memref_slice %arg8[%mul3A_2, %dma_start3A_355] : memref<16384x64xf32, #tpu.memory_space<hbm>> -> memref<512x64xf32, #tpu.memory_space<hbm>>
      tpu.enqueue_dma source(%arg14 : memref<512x64xf32, #tpu.memory_space<vmem>>) target(%dma_start3A_356 : memref<512x64xf32, #tpu.memory_space<hbm>>) target_semaphore(%run_scoped3A : memref<!tpu.dma_semaphore, #tpu.memory_space<semaphore_mem>>)
      %dma_wait3A_357 = arith.constant 0 : i32
      %dma_wait3A_358 = tpu.memref_slice %arg8[%mul3A_2, %dma_wait3A_357] : memref<16384x64xf32, #tpu.memory_space<hbm>> -> memref<512x64xf32, #tpu.memory_space<hbm>>
      %dma_wait3A_359 = arith.constant 0 : i32
      %dma_wait3A_360 = tpu.memref_slice %arg8[%mul3A_2, %dma_wait3A_359] : memref<16384x64xf32, #tpu.memory_space<hbm>> -> memref<512x64xf32, #tpu.memory_space<hbm>>
      tpu.wait_dma2 semaphore(%run_scoped3A : memref<!tpu.dma_semaphore, #tpu.memory_space<semaphore_mem>>) src(%arg14 : memref<512x64xf32, #tpu.memory_space<vmem>>) dst(%dma_wait3A_360 : memref<512x64xf32, #tpu.memory_space<hbm>>)
      tpu.yield
    }) : () -> ()
    "tpu.region"() ({
      %run_scoped3A = tpu.sem_alloc : memref<!tpu.dma_semaphore, #tpu.memory_space<semaphore_mem>>
      %dma_start3A_353 = tpu.memref_slice %arg9[%mul3A_2] : memref<16384xi32, #tpu.memory_space<hbm>> -> memref<512xi32, #tpu.memory_space<hbm>>
      %dma_start3A_354 = tpu.memref_slice %arg9[%mul3A_2] : memref<16384xi32, #tpu.memory_space<hbm>> -> memref<512xi32, #tpu.memory_space<hbm>>
      tpu.enqueue_dma source(%arg15 : memref<512xi32, #tpu.memory_space<vmem>>) target(%dma_start3A_354 : memref<512xi32, #tpu.memory_space<hbm>>) target_semaphore(%run_scoped3A : memref<!tpu.dma_semaphore, #tpu.memory_space<semaphore_mem>>)
      %dma_wait3A_355 = tpu.memref_slice %arg9[%mul3A_2] : memref<16384xi32, #tpu.memory_space<hbm>> -> memref<512xi32, #tpu.memory_space<hbm>>
      %dma_wait3A_356 = tpu.memref_slice %arg9[%mul3A_2] : memref<16384xi32, #tpu.memory_space<hbm>> -> memref<512xi32, #tpu.memory_space<hbm>>
      tpu.wait_dma2 semaphore(%run_scoped3A : memref<!tpu.dma_semaphore, #tpu.memory_space<semaphore_mem>>) src(%arg15 : memref<512xi32, #tpu.memory_space<vmem>>) dst(%dma_wait3A_356 : memref<512xi32, #tpu.memory_space<hbm>>)
      tpu.yield
    }) : () -> ()
    "tpu.region"() ({
      %run_scoped3A = tpu.sem_alloc : memref<!tpu.dma_semaphore, #tpu.memory_space<semaphore_mem>>
      %dma_start3A_353 = tpu.memref_slice %arg10[%mul3A_2] : memref<16384xf32, #tpu.memory_space<hbm>> -> memref<512xf32, #tpu.memory_space<hbm>>
      %dma_start3A_354 = tpu.memref_slice %arg10[%mul3A_2] : memref<16384xf32, #tpu.memory_space<hbm>> -> memref<512xf32, #tpu.memory_space<hbm>>
      tpu.enqueue_dma source(%arg16 : memref<512xf32, #tpu.memory_space<vmem>>) target(%dma_start3A_354 : memref<512xf32, #tpu.memory_space<hbm>>) target_semaphore(%run_scoped3A : memref<!tpu.dma_semaphore, #tpu.memory_space<semaphore_mem>>)
      %dma_wait3A_355 = tpu.memref_slice %arg10[%mul3A_2] : memref<16384xf32, #tpu.memory_space<hbm>> -> memref<512xf32, #tpu.memory_space<hbm>>
      %dma_wait3A_356 = tpu.memref_slice %arg10[%mul3A_2] : memref<16384xf32, #tpu.memory_space<hbm>> -> memref<512xf32, #tpu.memory_space<hbm>>
      tpu.wait_dma2 semaphore(%run_scoped3A : memref<!tpu.dma_semaphore, #tpu.memory_space<semaphore_mem>>) src(%arg16 : memref<512xf32, #tpu.memory_space<vmem>>) dst(%dma_wait3A_356 : memref<512xf32, #tpu.memory_space<hbm>>)
      tpu.yield
    }) : () -> ()
    "tpu.region"() ({
      %run_scoped3A = tpu.sem_alloc : memref<!tpu.dma_semaphore, #tpu.memory_space<semaphore_mem>>
      %dma_start3A_353 = arith.constant 0 : i32
      %dma_start3A_354 = tpu.memref_slice %arg11[%mul3A_2, %dma_start3A_353] : memref<16384x64xf32, #tpu.memory_space<hbm>> -> memref<512x64xf32, #tpu.memory_space<hbm>>
      %dma_start3A_355 = arith.constant 0 : i32
      %dma_start3A_356 = tpu.memref_slice %arg11[%mul3A_2, %dma_start3A_355] : memref<16384x64xf32, #tpu.memory_space<hbm>> -> memref<512x64xf32, #tpu.memory_space<hbm>>
      tpu.enqueue_dma source(%arg17 : memref<512x64xf32, #tpu.memory_space<vmem>>) target(%dma_start3A_356 : memref<512x64xf32, #tpu.memory_space<hbm>>) target_semaphore(%run_scoped3A : memref<!tpu.dma_semaphore, #tpu.memory_space<semaphore_mem>>)
      %dma_wait3A_357 = arith.constant 0 : i32
      %dma_wait3A_358 = tpu.memref_slice %arg11[%mul3A_2, %dma_wait3A_357] : memref<16384x64xf32, #tpu.memory_space<hbm>> -> memref<512x64xf32, #tpu.memory_space<hbm>>
      %dma_wait3A_359 = arith.constant 0 : i32
      %dma_wait3A_360 = tpu.memref_slice %arg11[%mul3A_2, %dma_wait3A_359] : memref<16384x64xf32, #tpu.memory_space<hbm>> -> memref<512x64xf32, #tpu.memory_space<hbm>>
      tpu.wait_dma2 semaphore(%run_scoped3A : memref<!tpu.dma_semaphore, #tpu.memory_space<semaphore_mem>>) src(%arg17 : memref<512x64xf32, #tpu.memory_space<vmem>>) dst(%dma_wait3A_360 : memref<512x64xf32, #tpu.memory_space<hbm>>)
      tpu.yield
    }) : () -> ()
    "tpu.region"() ({
      %run_scoped3A = tpu.sem_alloc : memref<!tpu.dma_semaphore, #tpu.memory_space<semaphore_mem>>
      %dma_start3A_353 = tpu.memref_slice %arg12[%mul3A_2] : memref<16384xf32, #tpu.memory_space<hbm>> -> memref<512xf32, #tpu.memory_space<hbm>>
      %dma_start3A_354 = tpu.memref_slice %arg12[%mul3A_2] : memref<16384xf32, #tpu.memory_space<hbm>> -> memref<512xf32, #tpu.memory_space<hbm>>
      tpu.enqueue_dma source(%arg18 : memref<512xf32, #tpu.memory_space<vmem>>) target(%dma_start3A_354 : memref<512xf32, #tpu.memory_space<hbm>>) target_semaphore(%run_scoped3A : memref<!tpu.dma_semaphore, #tpu.memory_space<semaphore_mem>>)
      %dma_wait3A_355 = tpu.memref_slice %arg12[%mul3A_2] : memref<16384xf32, #tpu.memory_space<hbm>> -> memref<512xf32, #tpu.memory_space<hbm>>
      %dma_wait3A_356 = tpu.memref_slice %arg12[%mul3A_2] : memref<16384xf32, #tpu.memory_space<hbm>> -> memref<512xf32, #tpu.memory_space<hbm>>
      tpu.wait_dma2 semaphore(%run_scoped3A : memref<!tpu.dma_semaphore, #tpu.memory_space<semaphore_mem>>) src(%arg18 : memref<512xf32, #tpu.memory_space<vmem>>) dst(%dma_wait3A_356 : memref<512xf32, #tpu.memory_space<hbm>>)
      tpu.yield
    }) : () -> ()
    return
  }
}

</mosaic_0001>

<sc_bundles>
// kernel: kernel.3.cloned.1.call-start
scs
__scs_entry_jumppad:
0x0: {  	(pc) =	sbr.rel $0x88, $3  }
0x1: {  	(tag) =	ssettag $0x0;
	lr =	simm.s32 $0x1  }
0x2: {  	[smem:$0x3F9B] =	sst lr;
	_ =	strace $0xD0000000  }
0x3: {  	_ = 	snop  }
0x4: {  	_ = 	snop  }
0x5: {  	_ = 	snop  }
0x6: {  	_ = 	snop  }
0x7: {  	_ = 	snop  }
__scs_overlays_trampoline_lowered:
0x8: {  	[smem:$0x3FAA] =	sst s0  }
0x9: {  	[smem:$0x3FAB] =	sst s1  }
0xa: {  	[smem:$0x3FAC] =	sst s2  }
0xb: {  	[smem:$0x3FAD] =	sst s3  }
0xc: {  	[smem:$0x3FAE] =	sst s4  }
0xd: {  	[smem:$0x3FAF] =	sst s5  }
0xe: {  	[smem:$0x3FB0] =	sst s6  }
0xf: {  	[smem:$0x3FB1] =	sst s7  }
0x10: {  	[smem:$0x3FB2] =	sst s8  }
0x11: {  	[smem:$0x3FB3] =	sst s9;
	s0 =	simm.s32 @!p0 $0x0  }
0x12: {  	s1 =	sld [smem:$0x3F99];
	s0 =	simm.s32 @p0 $0x1  }
0x13: {  	[smem:$0x3FB4] =	sst s0;
	s0 =	simm.s32 @!p1 $0x0  }
0x14: {  	s2 =	sld [smem:$0x3F98];
	s0 =	simm.s32 @p1 $0x1  }
0x15: {  	[smem:$0x3FB5] =	sst s0;
	s0 =	simm.s32 @!p2 $0x0  }
0x16: {  	s3 =	sld [smem:$0x3FDB];
	s0 =	simm.s32 @p2 $0x1  }
0x17: {  	s4 =	simm.s32 $0x1BF5;
	[smem:$0x3FB7] =	sst s0  }
0x18: {  	s0 =	sld [smem:$0x3F9A];
	_ =	swait.ge [sflag:s4], $0x0  }
0x19: {  	s7 =	sld [smem:$0x3F9B]  }
0x1a: {  	s8 =	sadd.s32 $0xFFFFE003, lr  }
0x1b: {  	s9 =	sadd.s32 $0xFFFFFEF7, lr;
	s5 =	simm.s32 $0xFFFFFFFF;
	p2 =	slt.u32 s8, $0xFFFFF086  }
0x1c: {  	p1 =	slt.u32 s9, $0xF7A;
	s5 =	simm.s32 @!p2 $0x0  }
0x1d: {  	s5 =	simm.s32 @p1 $0x1;
	p0 =	seq.s32 s7, s2  }
0x1e: {  	s7 =	smul.u32 @!p0 $0xF7A, s2;
	p2 =	seq.s32 @!p0 s5, $0x0  }
0x1f: {  	s9 =	smul.u32 $0xF7A, s1;
	s8 =	simm.s32 @!p0 $0x1BF5;
	p2 =	por !p2, p0  }
0x20: {  	[sflag:s8] =	ssyncset.s32 @!p0 $0xFFFFF086;
	s6 =	sadd.s32 @!p0 s3, s7;
	s7 =	simm.s32 @!p0 $0x108  }
0x21: {  	s3 =	sadd.s32 s3, s9;
	s6 =	sadd.s32 @!p0 $0x88, s6;
	s7 =	simm.s32 @p2 $0x1082  }
0x22: {  	[simem:s7], [sflag:s8] =	dma.local @!p0 [hbm:s6], $0xF7A  }
0x23: {  	s9 =	sor.u32 $0xD0000000, s2;
	s6 =	simm.s32 $0x108;
	_ =	swait.ge @!p0 [sflag:s8], $0x0  }
0x24: {  	s3 =	sadd.s32 $0x88, s3;
	s6 =	simm.s32 @!p1 $0x1082;
	[sflag:s4] =	ssyncset.s32 $0xFFFFF086  }
0x25: {  	[simem:s6], [sflag:s4] =	dma.local [hbm:s3], $0xF7A  }
0x26: {  	[smem:$0x3F9B] =	sst s1;
	(tag) =	ssettag s2;
	_ =	strace s9  }
0x27: {  	s1 =	sld [smem:$0x3FAB]  }
0x28: {  	s2 =	sld [smem:$0x3FAC]  }
0x29: {  	s4 =	sld [smem:$0x3FAE]  }
0x2a: {  	p0 =	seq.s32 s5, $0x0;
	s5 =	sld [smem:$0x3FAF]  }
0x2b: {  	s6 =	sld [smem:$0x3FB0]  }
0x2c: {  	s7 =	sld [smem:$0x3FB1]  }
0x2d: {  	s3 =	simm.s32 $0x108;
	s8 =	sld [smem:$0x3FB2]  }
0x2e: {  	s3 =	simm.s32 @!p0 $0x1082;
	s9 =	sld [smem:$0x3FB3]  }
0x2f: {  	lr =	sadd.s32 s0, s3;
	s0 =	sld [smem:$0x3FAA]  }
0x30: {  	s3 =	sld [smem:$0x3FAD]  }
0x31: {  	[smem:$0x3FB6] =	sst s10  }
0x32: {  	s10 =	sld [smem:$0x3FB4];
	_ =	sdelay $0x3  }
0x33: {  	p0 =	seq.s32 s10, $0x1;
	s10 =	sld [smem:$0x3FB6];
	_ =	sdelay $0x3  }
0x34: {  	[smem:$0x3FB6] =	sst s10  }
0x35: {  	s10 =	sld [smem:$0x3FB5];
	_ =	sdelay $0x3  }
0x36: {  	p1 =	seq.s32 s10, $0x1;
	s10 =	sld [smem:$0x3FB6];
	_ =	sdelay $0x3  }
0x37: {  	[smem:$0x3FB6] =	sst s10  }
0x38: {  	s10 =	sld [smem:$0x3FB7]  }
0x39: {  	_ = 	snop;
	(pc) =	sbr.ind lr, $3  }
0x3a: {  	_ = 	snop  }
0x3b: {  	_ = 	snop  }
0x3c: {  	p2 =	seq.s32 s10, $0x1;
	s10 =	sld [smem:$0x3FB6]  }
0x3d: {  	_ =	shalt  }
0x3e: {  	_ =	shalt  }
0x3f: {  	_ =	shalt  }
0x40: {  	_ =	shalt  }
0x41: {  	_ =	shalt  }
0x42: {  	_ =	shalt  }
0x43: {  	_ =	shalt  }
0x44: {  	_ =	shalt  }
0x45: {  	_ =	shalt  }
0x46: {  	_ =	shalt  }
0x47: {  	_ =	shalt  }
0x48: {  	_ =	shalt  }
0x49: {  	_ =	shalt  }
0x4a: {  	_ =	shalt  }
0x4b: {  	_ =	shalt  }
0x4c: {  	_ =	shalt  }
0x4d: {  	_ =	shalt  }
0x4e: {  	_ =	shalt  }
0x4f: {  	_ =	shalt  }
0x50: {  	_ =	shalt  }
0x51: {  	_ =	shalt  }
0x52: {  	_ =	shalt  }
0x53: {  	_ =	shalt  }
0x54: {  	_ =	shalt  }
0x55: {  	_ =	shalt  }
0x56: {  	_ =	shalt  }
0x57: {  	_ =	shalt  }
0x58: {  	_ =	shalt  }
0x59: {  	_ =	shalt  }
0x5a: {  	_ =	shalt  }
0x5b: {  	_ =	shalt  }
0x5c: {  	_ =	shalt  }
0x5d: {  	_ =	shalt  }
0x5e: {  	_ =	shalt  }
0x5f: {  	_ =	shalt  }
0x60: {  	_ =	shalt  }
0x61: {  	_ =	shalt  }
0x62: {  	_ =	shalt  }
0x63: {  	_ =	shalt  }
0x64: {  	_ =	shalt  }
0x65: {  	_ =	shalt  }
0x66: {  	_ =	shalt  }
0x67: {  	_ =	shalt  }
0x68: {  	_ =	shalt  }
0x69: {  	_ =	shalt  }
0x6a: {  	_ =	shalt  }
0x6b: {  	_ =	shalt  }
0x6c: {  	_ =	shalt  }
0x6d: {  	_ =	shalt  }
0x6e: {  	_ =	shalt  }
0x6f: {  	_ =	shalt  }
0x70: {  	_ =	shalt  }
0x71: {  	_ =	shalt  }
0x72: {  	_ =	shalt  }
0x73: {  	_ =	shalt  }
0x74: {  	_ =	shalt  }
0x75: {  	_ =	shalt  }
0x76: {  	_ =	shalt  }
0x77: {  	_ =	shalt  }
0x78: {  	_ =	shalt  }
0x79: {  	_ =	shalt  }
0x7a: {  	_ =	shalt  }
0x7b: {  	_ =	shalt  }
0x7c: {  	_ =	shalt  }
0x7d: {  	_ =	shalt  }
0x7e: {  	_ =	shalt  }
0x7f: {  	_ =	shalt  }
0x80: {  	_ =	shalt  }
0x81: {  	_ =	shalt  }
0x82: {  	_ =	shalt  }
0x83: {  	_ =	shalt  }
0x84: {  	_ =	shalt  }
0x85: {  	_ =	shalt  }
0x86: {  	_ =	shalt  }
0x87: {  	_ =	shalt  }
.Lfunc_end0:
.L_simem_size_0:
called_computation_lowered:
.L_overlay_start_0:
0x88: {  	s2 =	sld [smem:$0x3FD9]  }
0x89: {  	s3 =	sld [smem:$0x3FFE];
	_ =	sdelay $0x1  }
0x8a: {  	s1 =	srdreg.scid  }
0x8b: {  	s0 =	sand.u32 $0x1, s1  }
0x8c: {  	s14 =	sshll.u32 s0, $0xA;
	s2 =	sadd.s32 s3, s2  }
0x8d: {  	s2 =	sadd.s32 s2, s14  }
0x8e: {  	[smem:$0x3FC2] =	sst s2  }
0x8f: {  	_ = 	snop  }
0x90: {  	s2 =	sld [smem:$0x3FD0];
	_ =	sdelay $0x2  }
0x91: {  	s4 =	simm.s32 $0xA;
	s5 =	simm.s32 $0x10;
	s15 =	sld [smem:$0x3FC4]  }
0x92: {  	[smem:s5], [sflag:s4] =	dma.local [hbm:s2], $0x1  }
0x93: {  	_ =	swait.eq [sflag:s4], $0x1  }
0x94: {  	s16 =	sld [smem:$0x10]  }
0x95: {  	s17 =	sld [smem:$0x11]  }
0x96: {  	s6 =	sld [smem:$0x12];
	[sflag:s4] =	ssyncset.done $0x0  }
0x97: {  	s7 =	sld [smem:$0x13];
	[sflag:s4] =	ssyncadd.s32 $0xFFFFFFFF  }
0x98: {  	s18 =	sld [smem:$0x14];
	(tm) =	ssettm $0x1  }
0x99: {  	s8 =	sld [smem:$0x3FFB];
	_ =	sdelay $0x3  }
0x9a: {  	_ =	strace s8  }
0x9b: {  	s8 =	sld [smem:$0x3FFC];
	_ =	sdelay $0x3  }
0x9c: {  	_ =	strace s8  }
0x9d: {  	s8 =	sld [smem:$0x3FFD];
	_ =	sdelay $0x3  }
0x9e: {  	_ =	strace s8  }
0x9f: {  	_ =	strace $0x8FFFFFFF  }
0xa0: {  	s19 =	sld [smem:$0x3FDB];
	_ =	sdelay $0x1  }
0xa1: {  	s9 =	simm.s32 $_scs_section_size  }
0xa2: {  	s10 =	simm.s32 $_size__tile_overlayer_lowered;
	s11 =	simm.s32 $_tile_overlayer_lowered  }
0xa3: {  	s22 =	simm.s32 $0x1BFF;
	s21 =	sshll.u32 s11, $0x1;
	s8 =	sadd.s32 s9, s19  }
0xa4: {  	s12 =	simm.s32 $0x0;
	s20 =	sshll.u32 s10, $0x1;
	s10 =	sadd.s32 s21, s8  }
0xa5: {  	[timem:s12], [sflag:s22] =	dma.local [hbm:s10], s20  }
0xa6: {  	_ =	swait.ge [sflag:s22], s20  }
0xa7: {  	s9 =	ssub.s32 $0x0, s20;
	[sflag:s22] =	ssyncset.done $0x0  }
0xa8: {  	[sflag:s22] =	ssyncadd.s32 s9;
	_ =	sdelay $0x1  }
0xa9: {  	s23 =	simm.s32 $0x1B8B  }
0xaa: {  	_ =	swait.ge [sflag:s23], $0x1  }
0xab: {  	[sflag:s23] =	ssyncset.done $0x0  }
0xac: {  	s25 =	simm.s32 $0x1B8E;
	s24 =	sld [smem:$0x3FFE];
	[sflag:s23] =	ssyncadd.s32 $0xFFFFFFFF  }
0xad: {  	s26 =	simm.s32 $execute0_lowered;
	[smem:$0x3FD2] =	sst s25  }
0xae: {  	s10 =	sshll.u32 s26, $0x1;
	_ =	strace $0x80000046;
	[dreg:$0x1] =	wrdreg $0xFFFFFFFF  }
0xaf: {  	s28 =	simm.s32 $_size_execute0_lowered;
	s8 =	sadd.s32 s8, s10;
	[dreg:$0x0] =	wrdreg $0x0  }
0xb0: {  	s10 =	sshll.u32 s28, $0x1;
	[dreg:$0x2] =	wrdreg s8  }
0xb1: {  	[dreg:$0x3] =	wrdreg s10  }
0xb2: {  	[dreg:$0x4] =	wrdreg $0xC0  }
0xb3: {  	_ =	task [dreg:s12], $0x5FFFF  }
0xb4: {  	[dreg:$0x1] =	wrdreg $0xFFFFFFFF  }
0xb5: {  	[dreg:$0x0] =	wrdreg $0x60  }
0xb6: {  	[dreg:$0x2] =	wrdreg s24  }
0xb7: {  	[dreg:$0x3] =	wrdreg s16  }
0xb8: {  	[dreg:$0x4] =	wrdreg s15  }
0xb9: {  	[dreg:$0x5] =	wrdreg s7  }
0xba: {  	[dreg:$0x6] =	wrdreg s17  }
0xbb: {  	[dreg:$0x7] =	wrdreg s6  }
0xbc: {  	[dreg:$0x8] =	wrdreg s18  }
0xbd: {  	[dreg:$0x9] =	wrdreg $0x9  }
0xbe: {  	_ =	task.clear_ibuf [dreg:s12], $0xAFFFF;
	_ =	strace $0x90000046  }
0xbf: {  	s29 =	simm.s32 $0x9;
	_ =	strace $0x80000048  }
0xc0: {  	_ =	swait.ge [sflag:s29], $0x1  }
0xc1: {  	[sflag:s29] =	ssyncadd.s32 $0xFFFFFFFF  }
0xc2: {  	_ =	strace $0x90000048  }
0xc3: {  	_ =	sfence  }
0xc4: {  	s30 =	sld [smem:$0x0];
	_ =	sdelay $0x2  }
0xc5: {  	s31 =	sshll.u32 s1, $0xD;
	s1 =	sshrl.u32 s1, $0x2  }
0xc6: {  	s3 =	sand.u32 $0x4000, s31;
	s1 =	sadd.s32 s1, s30  }
0xc7: {  	s0 =	sor.u32 s3, s0;
	s1 =	sshll.u32 s1, $0x11  }
0xc8: {  	s0 =	sor.u32 s1, s0  }
0xc9: {  	s0 =	sadd.s32 $0x8F2B, s0  }
0xca: {  	[sflag:s0] =	ssyncadd.remote.s32 $0x1  }
0xcb: {  	_ =	sfence.sel $0xFFFF  }
0xcc: {  	[dreg:$0x0] =	wrdreg $0xFFFFFFFF;
	(pc) =	sbr.abs _section_cstart, $3  }
0xcd: {  	[dreg:$0x1] =	wrdreg $0xFFFFFFFF  }
0xce: {  	_ =	task.clear_ibuf [dreg:s12], $0x2FFFF;
	_ =	strace $0x9FFFFFFF  }
0xcf: {  	(tm) =	ssettm $0x7FFFFFFF  }
tec
execute0_lowered:
.L_overlay_start_1:
0x0: {  	(tag) =	ssettag $0x1  }
0x1: {  	s9 =	rddreg [dreg:$0x0]  }
0x2: {  	s10 =	rddreg [dreg:$0x1]  }
0x3: {  	s0 =	rddreg [dreg:$0x2]  }
0x4: {  	s1 =	rddreg [dreg:$0x3]  }
0x5: {  	s3 =	rddreg [dreg:$0x4]  }
0x6: {  	s4 =	rddreg [dreg:$0x5]  }
0x7: {  	s5 =	rddreg [dreg:$0x6];
	s2 =	srdreg.scid  }
0x8: {  	s18 =	rddreg [dreg:$0x7];
	s7 =	stileid.u32  }
0x9: {  	s20 =	simm.s32 $0xA600;
	s21 =	simm.s32 $0x10680;
	s22 =	simm.s32 $0x4200  }
0xa: {  	s23 =	simm.s32 $0x8300;
	s24 =	simm.s32 $0x8500;
	p0 =	por $0x0, $0x0  }
0xb: {  	s28 =	simm.s32 $0x6200;
	s29 =	simm.s32 $0x8380;
	s30 =	simm.s32 $0x8580  }
0xc: {  	s31 =	simm.s32 $0xE600;
	s6 =	sand.u32 $0x1, s2;
	s2 =	simm.s32 $0x0  }
0xd: {  	s7 =	sshll.u32 s7, $0xA;
	s12 =	sadd.s32 $0xF42400, s9;
	s13 =	sadd.s32 $0x1EA00, s9  }
0xe: {  	s14 =	sadd.s32 $0x16E3600, s9;
	s8 =	sshll.u32 s6, $0x9;
	[smem:$0x7FF] =	sst s2  }
0xf: {  	s6 =	ssub.s32 $0x2, s6;
	s7 =	sor.u32 s8, s7;
	_ =	strace $0x80000047  }
0x10: {  	s11 =	sshrl.u32 s6, $0x1;
	s8 =	sshrl.u32 s7, $0x3;
	s7 =	sshll.u32 s7, $0x3  }
0x11: {  	s16 =	ssub.s32 s6, s11;
	s6 =	simm.s32 $0x8400;
	s11 =	simm.s32 $0x1  }
0x12: {  	s0 =	sadd.s32 s0, s8;
	s25 =	sadd.s32 s1, s7;
	s26 =	sadd.s32 s7, s9  }
0x13: {  	s3 =	sadd.s32 s3, s8;
	s7 =	sadd.s32 s4, s8;
	[dreg:$0x8] =	wrdreg s0  }
0x14: {  	s17 =	sadd.s32 s5, s8;
	s19 =	smax.u32 s16, $0x1;
	[dreg:$0x9] =	wrdreg s25  }
0x15: {  	s8 =	simm.s32 $0x200;
	s5 =	simm.s32 $0x8600;
	[dreg:$0xa] =	wrdreg s3  }
0x16: {  	s4 =	simm.s32 $0x10600;
	s16 =	simm.s32 $0x100;
	[dreg:$0xb] =	wrdreg s7  }
0x17: {  	s15 =	sadd.s32 $0x3D400, s26;
	[dreg:$0xd] =	wrdreg s17;
	p1 =	sne.s32 s19, $0x1  }
.Ltmp0:
0x18: {  	s3 =	simm.s32 $0x2;
	s7 =	simm.s32 $0x8200;
	(pc) =	sbr.rel @!p1 .LBB2_1-.Ltmp0, $4  }
0x19: {  	s25 =	simm.s32 $0x2200;
	s26 =	simm.s32 $0x8280;
	[dreg:$0xc] =	wrdreg s15  }
0x1a: {  	s17 =	simm.s32 $0x180;
	s0 =	sadd.s32 $0xFFFFFFFF, s19;
	[dreg:$0xe] =	wrdreg s25  }
0x1b: {  	s19 =	simm.s32 $0x10780;
	s15 =	simm.s32 $0x80;
	[dreg:$0xf] =	wrdreg s26  }
0x1c: {  	s25 =	simm.s32 $0xC600;
	s26 =	simm.s32 $0x10700;
	s1 =	rddreg [dreg:$0x8]  }
0x1d: {  	[tilespmem:s2], [sflag:$0x2] =	stream.linear.gather [hbm4b:s1+s2], $0x200, $0x38;
	[tilespmem:$0x10800] =	vst v63  }
0x1e: {  	_ =	swait.ge [sflag:s3], $0x200  }
0x1f: {  	[sflag:s3] =	ssyncset.done $0x0  }
0x20: {  	[sflag:s3] =	ssyncadd.s32 $0xFFFFFE00  }
0x21: {  	[tilespmem:s8], [sflag:$0x1] =	stream.indirect.gather [hbm4b:s12+s15], $0x40, s2, s15, $0xb8;
	[tilespmem:$0x10800] =	vst v63  }
0x22: {  	_ = 	snop  }
0x23: {  	[tilespmem:s7], [sflag:$0x1] =	stream.indirect.gather [hbm4b:s10+s15], $0x1, s2, s15, $0xb8;
	[tilespmem:$0x10800] =	vst v63  }
0x24: {  	_ = 	snop  }
0x25: {  	[tilespmem:s6], [sflag:$0x1] =	stream.indirect.gather [hbm4b:s13+s15], $0x1, s2, s15, $0xb8;
	[tilespmem:$0x10800] =	vst v63  }
0x26: {  	_ = 	snop  }
0x27: {  	[tilespmem:s5], [sflag:$0x1] =	stream.indirect.gather [hbm4b:s14+s15], $0x40, s2, s15, $0xb8;
	[tilespmem:$0x10800] =	vst v63  }
0x28: {  	_ = 	snop  }
0x29: {  	[tilespmem:s4], [sflag:$0x1] =	stream.indirect.gather [hbm4b:s9+s15], $0x1, s2, s15, $0xb8;
	[tilespmem:$0x10800] =	vst v63  }
0x2a: {  	s1 =	rddreg [dreg:$0xe]  }
0x2b: {  	[tilespmem:s1], [sflag:$0x1] =	stream.indirect.gather [hbm4b:s12+s15], $0x40, s15, s15, $0xb8;
	[tilespmem:$0x10800] =	vst v63  }
0x2c: {  	s18 =	smov.u32 s0;
	s0 =	rddreg [dreg:$0xf]  }
0x2d: {  	[tilespmem:s0], [sflag:$0x1] =	stream.indirect.gather [hbm4b:s10+s15], $0x1, s15, s15, $0xb8;
	[tilespmem:$0x10800] =	vst v63  }
0x2e: {  	s1 =	simm.s32 $0x8480  }
0x2f: {  	[tilespmem:s1], [sflag:$0x1] =	stream.indirect.gather [hbm4b:s13+s15], $0x1, s15, s15, $0xb8;
	[tilespmem:$0x10800] =	vst v63  }
0x30: {  	_ = 	snop  }
0x31: {  	[tilespmem:s20], [sflag:$0x1] =	stream.indirect.gather [hbm4b:s14+s15], $0x40, s15, s15, $0xb8;
	[tilespmem:$0x10800] =	vst v63  }
0x32: {  	_ = 	snop  }
0x33: {  	[tilespmem:s21], [sflag:$0x1] =	stream.indirect.gather [hbm4b:s9+s15], $0x1, s15, s15, $0xb8;
	[tilespmem:$0x10800] =	vst v63  }
0x34: {  	_ = 	snop  }
0x35: {  	[tilespmem:s22], [sflag:$0x1] =	stream.indirect.gather [hbm4b:s12+s15], $0x40, s16, s15, $0xb8;
	[tilespmem:$0x10800] =	vst v63  }
0x36: {  	_ = 	snop  }
0x37: {  	[tilespmem:s23], [sflag:$0x1] =	stream.indirect.gather [hbm4b:s10+s15], $0x1, s16, s15, $0xb8;
	[tilespmem:$0x10800] =	vst v63  }
0x38: {  	_ = 	snop  }
0x39: {  	[tilespmem:s24], [sflag:$0x1] =	stream.indirect.gather [hbm4b:s13+s15], $0x1, s16, s15, $0xb8;
	[tilespmem:$0x10800] =	vst v63  }
0x3a: {  	_ = 	snop  }
0x3b: {  	[tilespmem:s25], [sflag:$0x1] =	stream.indirect.gather [hbm4b:s14+s15], $0x40, s16, s15, $0xb8;
	[tilespmem:$0x10800] =	vst v63  }
0x3c: {  	_ = 	snop  }
0x3d: {  	[tilespmem:s26], [sflag:$0x1] =	stream.indirect.gather [hbm4b:s9+s15], $0x1, s16, s15, $0xb8;
	[tilespmem:$0x10800] =	vst v63  }
0x3e: {  	_ = 	snop  }
0x3f: {  	[tilespmem:s28], [sflag:$0x1] =	stream.indirect.gather [hbm4b:s12+s15], $0x40, s17, s15, $0xb8;
	[tilespmem:$0x10800] =	vst v63  }
0x40: {  	_ = 	snop  }
0x41: {  	[tilespmem:s29], [sflag:$0x1] =	stream.indirect.gather [hbm4b:s10+s15], $0x1, s17, s15, $0xb8;
	[tilespmem:$0x10800] =	vst v63  }
0x42: {  	_ = 	snop  }
0x43: {  	[tilespmem:s30], [sflag:$0x1] =	stream.indirect.gather [hbm4b:s13+s15], $0x1, s17, s15, $0xb8;
	[tilespmem:$0x10800] =	vst v63  }
0x44: {  	_ = 	snop  }
0x45: {  	[tilespmem:s31], [sflag:$0x1] =	stream.indirect.gather [hbm4b:s14+s15], $0x40, s17, s15, $0xb8;
	[tilespmem:$0x10800] =	vst v63  }
0x46: {  	_ = 	snop  }
0x47: {  	[tilespmem:s19], [sflag:$0x1] =	stream.indirect.gather [hbm4b:s9+s15], $0x1, s17, s15, $0xb8;
	[tilespmem:$0x10800] =	vst v63  }
0x48: {  	_ =	swait.ge [sflag:s11], $0x2000  }
0x49: {  	[sflag:s11] =	ssyncset.done $0x0  }
0x4a: {  	[sflag:s11] =	ssyncadd.s32 $0xFFFFE000  }
0x4b: {  	_ =	swait.ge [sflag:s11], $0x80  }
0x4c: {  	[sflag:s11] =	ssyncset.done $0x0  }
0x4d: {  	[sflag:s11] =	ssyncadd.s32 $0xFFFFFF80  }
0x4e: {  	_ =	swait.ge [sflag:s11], $0x80  }
0x4f: {  	[sflag:s11] =	ssyncset.done $0x0  }
0x50: {  	[sflag:s11] =	ssyncadd.s32 $0xFFFFFF80  }
0x51: {  	_ =	swait.ge [sflag:s11], $0x2000  }
0x52: {  	[sflag:s11] =	ssyncset.done $0x0  }
0x53: {  	[sflag:s11] =	ssyncadd.s32 $0xFFFFE000  }
0x54: {  	_ =	swait.ge [sflag:s11], $0x80  }
0x55: {  	[sflag:s11] =	ssyncset.done $0x0  }
0x56: {  	[sflag:s11] =	ssyncadd.s32 $0xFFFFFF80  }
0x57: {  	_ =	swait.ge [sflag:s11], $0x2000  }
0x58: {  	[sflag:s11] =	ssyncset.done $0x0  }
0x59: {  	[sflag:s11] =	ssyncadd.s32 $0xFFFFE000  }
0x5a: {  	_ =	swait.ge [sflag:s11], $0x80  }
0x5b: {  	[sflag:s11] =	ssyncset.done $0x0  }
0x5c: {  	[sflag:s11] =	ssyncadd.s32 $0xFFFFFF80  }
0x5d: {  	_ =	swait.ge [sflag:s11], $0x80  }
0x5e: {  	[sflag:s11] =	ssyncset.done $0x0  }
0x5f: {  	[sflag:s11] =	ssyncadd.s32 $0xFFFFFF80  }
0x60: {  	_ =	swait.ge [sflag:s11], $0x2000  }
0x61: {  	[sflag:s11] =	ssyncset.done $0x0  }
0x62: {  	[sflag:s11] =	ssyncadd.s32 $0xFFFFE000  }
0x63: {  	_ =	swait.ge [sflag:s11], $0x80  }
0x64: {  	[sflag:s11] =	ssyncset.done $0x0  }
0x65: {  	[sflag:s11] =	ssyncadd.s32 $0xFFFFFF80  }
0x66: {  	_ =	swait.ge [sflag:s11], $0x2000  }
0x67: {  	[sflag:s11] =	ssyncset.done $0x0  }
0x68: {  	[sflag:s11] =	ssyncadd.s32 $0xFFFFE000  }
0x69: {  	_ =	swait.ge [sflag:s11], $0x80  }
0x6a: {  	[sflag:s11] =	ssyncset.done $0x0  }
0x6b: {  	[sflag:s11] =	ssyncadd.s32 $0xFFFFFF80  }
0x6c: {  	_ =	swait.ge [sflag:s11], $0x80  }
0x6d: {  	[sflag:s11] =	ssyncset.done $0x0  }
0x6e: {  	[sflag:s11] =	ssyncadd.s32 $0xFFFFFF80  }
0x6f: {  	_ =	swait.ge [sflag:s11], $0x2000  }
0x70: {  	[sflag:s11] =	ssyncset.done $0x0  }
0x71: {  	[sflag:s11] =	ssyncadd.s32 $0xFFFFE000  }
0x72: {  	_ =	swait.ge [sflag:s11], $0x80  }
0x73: {  	[sflag:s11] =	ssyncset.done $0x0  }
0x74: {  	[sflag:s11] =	ssyncadd.s32 $0xFFFFFF80  }
0x75: {  	_ =	swait.ge [sflag:s11], $0x2000  }
0x76: {  	[sflag:s11] =	ssyncset.done $0x0  }
0x77: {  	[sflag:s11] =	ssyncadd.s32 $0xFFFFE000  }
0x78: {  	_ =	swait.ge [sflag:s11], $0x80  }
0x79: {  	[sflag:s11] =	ssyncset.done $0x0  }
0x7a: {  	[sflag:s11] =	ssyncadd.s32 $0xFFFFFF80  }
0x7b: {  	_ =	swait.ge [sflag:s11], $0x80  }
0x7c: {  	[sflag:s11] =	ssyncset.done $0x0  }
0x7d: {  	[sflag:s11] =	ssyncadd.s32 $0xFFFFFF80  }
0x7e: {  	_ =	swait.ge [sflag:s11], $0x2000  }
0x7f: {  	[sflag:s11] =	ssyncset.done $0x0  }
0x80: {  	[sflag:s11] =	ssyncadd.s32 $0xFFFFE000  }
0x81: {  	_ =	swait.ge [sflag:s11], $0x80  }
0x82: {  	[sflag:s11] =	ssyncset.done $0x0  }
0x83: {  	s1 =	rddreg [dreg:$0x9];
	[sflag:s11] =	ssyncadd.s32 $0xFFFFFF80  }
0x84: {  	[hbm4b:s1+s2] =	stream.linear.scatter [tilespmem:s8], [sflag:$0x2], $0x8000, $0x38;
	[tilespmem:$0x10800] =	vst v63  }
0x85: {  	_ =	swait.ge [sflag:s3], $0x8000  }
0x86: {  	[sflag:s3] =	ssyncset.done $0x0  }
0x87: {  	s1 =	rddreg [dreg:$0xa];
	[sflag:s3] =	ssyncadd.s32 $0xFFFF8000  }
0x88: {  	[hbm4b:s1+s2] =	stream.linear.scatter [tilespmem:s7], [sflag:$0x2], $0x200, $0x38;
	[tilespmem:$0x10800] =	vst v63  }
0x89: {  	_ =	swait.ge [sflag:s3], $0x200  }
0x8a: {  	[sflag:s3] =	ssyncset.done $0x0  }
0x8b: {  	s1 =	rddreg [dreg:$0xb];
	[sflag:s3] =	ssyncadd.s32 $0xFFFFFE00  }
0x8c: {  	[hbm4b:s1+s2] =	stream.linear.scatter [tilespmem:s6], [sflag:$0x2], $0x200, $0x38;
	[tilespmem:$0x10800] =	vst v63  }
0x8d: {  	_ =	swait.ge [sflag:s3], $0x200  }
0x8e: {  	[sflag:s3] =	ssyncset.done $0x0  }
0x8f: {  	s1 =	rddreg [dreg:$0xc];
	[sflag:s3] =	ssyncadd.s32 $0xFFFFFE00  }
0x90: {  	[hbm4b:s1+s2] =	stream.linear.scatter [tilespmem:s5], [sflag:$0x2], $0x8000, $0x38;
	[tilespmem:$0x10800] =	vst v63  }
0x91: {  	p1 =	sne.s32 s18, $0x1;
	_ =	swait.ge [sflag:s3], $0x8000  }
.Ltmp1:
0x92: {  	[sflag:s3] =	ssyncset.done $0x0;
	(pc) =	sbr.rel @!p1 .LBB2_3-.Ltmp1, $4  }
0x93: {  	s1 =	rddreg [dreg:$0xd];
	[sflag:s3] =	ssyncadd.s32 $0xFFFF8000  }
0x94: {  	[hbm4b:s1+s2] =	stream.linear.scatter [tilespmem:s4], [sflag:$0x2], $0x200, $0x38;
	[tilespmem:$0x10800] =	vst v63  }
0x95: {  	p0 =	por $0x1, $0x1;
	_ =	swait.ge [sflag:s3], $0x200  }
0x96: {  	s0 =	sadd.s32 $0xFFFFFFFF, s18;
	s1 =	rddreg [dreg:$0x8];
	[sflag:s3] =	ssyncset.done $0x0  }
.LBB2_4:
0x97: {  	[sflag:s3] =	ssyncadd.s32 $0xFFFFFE00  }
0x98: {  	[tilespmem:s2], [sflag:$0x2] =	stream.linear.gather [hbm4b:s1+s2], $0x200, $0x38;
	[tilespmem:$0x10800] =	vst v63  }
0x99: {  	_ =	swait.ge [sflag:s3], $0x200  }
0x9a: {  	[sflag:s3] =	ssyncset.done $0x0  }
0x9b: {  	[sflag:s3] =	ssyncadd.s32 $0xFFFFFE00  }
0x9c: {  	[tilespmem:s8], [sflag:$0x1] =	stream.indirect.gather [hbm4b:s12+s15], $0x40, s2, s15, $0xb8;
	[tilespmem:$0x10800] =	vst v63  }
0x9d: {  	_ = 	snop  }
0x9e: {  	[tilespmem:s7], [sflag:$0x1] =	stream.indirect.gather [hbm4b:s10+s15], $0x1, s2, s15, $0xb8;
	[tilespmem:$0x10800] =	vst v63  }
0x9f: {  	_ = 	snop  }
0xa0: {  	[tilespmem:s6], [sflag:$0x1] =	stream.indirect.gather [hbm4b:s13+s15], $0x1, s2, s15, $0xb8;
	[tilespmem:$0x10800] =	vst v63  }
0xa1: {  	_ = 	snop  }
0xa2: {  	[tilespmem:s5], [sflag:$0x1] =	stream.indirect.gather [hbm4b:s14+s15], $0x40, s2, s15, $0xb8;
	[tilespmem:$0x10800] =	vst v63  }
0xa3: {  	_ = 	snop  }
0xa4: {  	[tilespmem:s4], [sflag:$0x1] =	stream.indirect.gather [hbm4b:s9+s15], $0x1, s2, s15, $0xb8;
	[tilespmem:$0x10800] =	vst v63  }
0xa5: {  	s1 =	rddreg [dreg:$0xe]  }
0xa6: {  	[tilespmem:s1], [sflag:$0x1] =	stream.indirect.gather [hbm4b:s12+s15], $0x40, s15, s15, $0xb8;
	[tilespmem:$0x10800] =	vst v63  }
0xa7: {  	s18 =	rddreg [dreg:$0xf]  }
0xa8: {  	[tilespmem:s18], [sflag:$0x1] =	stream.indirect.gather [hbm4b:s10+s15], $0x1, s15, s15, $0xb8;
	[tilespmem:$0x10800] =	vst v63  }
0xa9: {  	s18 =	simm.s32 $0x8480  }
0xaa: {  	[tilespmem:s18], [sflag:$0x1] =	stream.indirect.gather [hbm4b:s13+s15], $0x1, s15, s15, $0xb8;
	[tilespmem:$0x10800] =	vst v63  }
0xab: {  	_ = 	snop  }
0xac: {  	[tilespmem:s20], [sflag:$0x1] =	stream.indirect.gather [hbm4b:s14+s15], $0x40, s15, s15, $0xb8;
	[tilespmem:$0x10800] =	vst v63  }
0xad: {  	_ = 	snop  }
0xae: {  	[tilespmem:s21], [sflag:$0x1] =	stream.indirect.gather [hbm4b:s9+s15], $0x1, s15, s15, $0xb8;
	[tilespmem:$0x10800] =	vst v63  }
0xaf: {  	_ = 	snop  }
0xb0: {  	[tilespmem:s22], [sflag:$0x1] =	stream.indirect.gather [hbm4b:s12+s15], $0x40, s16, s15, $0xb8;
	[tilespmem:$0x10800] =	vst v63  }
0xb1: {  	_ = 	snop  }
0xb2: {  	[tilespmem:s23], [sflag:$0x1] =	stream.indirect.gather [hbm4b:s10+s15], $0x1, s16, s15, $0xb8;
	[tilespmem:$0x10800] =	vst v63  }
0xb3: {  	_ = 	snop  }
0xb4: {  	[tilespmem:s24], [sflag:$0x1] =	stream.indirect.gather [hbm4b:s13+s15], $0x1, s16, s15, $0xb8;
	[tilespmem:$0x10800] =	vst v63  }
0xb5: {  	_ = 	snop  }
0xb6: {  	[tilespmem:s25], [sflag:$0x1] =	stream.indirect.gather [hbm4b:s14+s15], $0x40, s16, s15, $0xb8;
	[tilespmem:$0x10800] =	vst v63  }
0xb7: {  	_ = 	snop  }
0xb8: {  	[tilespmem:s26], [sflag:$0x1] =	stream.indirect.gather [hbm4b:s9+s15], $0x1, s16, s15, $0xb8;
	[tilespmem:$0x10800] =	vst v63  }
0xb9: {  	_ = 	snop  }
0xba: {  	[tilespmem:s28], [sflag:$0x1] =	stream.indirect.gather [hbm4b:s12+s15], $0x40, s17, s15, $0xb8;
	[tilespmem:$0x10800] =	vst v63  }
0xbb: {  	_ = 	snop  }
0xbc: {  	[tilespmem:s29], [sflag:$0x1] =	stream.indirect.gather [hbm4b:s10+s15], $0x1, s17, s15, $0xb8;
	[tilespmem:$0x10800] =	vst v63  }
0xbd: {  	_ = 	snop  }
0xbe: {  	[tilespmem:s30], [sflag:$0x1] =	stream.indirect.gather [hbm4b:s13+s15], $0x1, s17, s15, $0xb8;
	[tilespmem:$0x10800] =	vst v63  }
0xbf: {  	_ = 	snop  }
0xc0: {  	[tilespmem:s31], [sflag:$0x1] =	stream.indirect.gather [hbm4b:s14+s15], $0x40, s17, s15, $0xb8;
	[tilespmem:$0x10800] =	vst v63  }
0xc1: {  	_ = 	snop  }
0xc2: {  	[tilespmem:s19], [sflag:$0x1] =	stream.indirect.gather [hbm4b:s9+s15], $0x1, s17, s15, $0xb8;
	[tilespmem:$0x10800] =	vst v63  }
0xc3: {  	_ =	swait.ge [sflag:s11], $0x2000  }
0xc4: {  	[sflag:s11] =	ssyncset.done $0x0  }
0xc5: {  	[sflag:s11] =	ssyncadd.s32 $0xFFFFE000  }
0xc6: {  	_ =	swait.ge [sflag:s11], $0x80  }
0xc7: {  	[sflag:s11] =	ssyncset.done $0x0  }
0xc8: {  	[sflag:s11] =	ssyncadd.s32 $0xFFFFFF80  }
0xc9: {  	_ =	swait.ge [sflag:s11], $0x80  }
0xca: {  	[sflag:s11] =	ssyncset.done $0x0  }
0xcb: {  	[sflag:s11] =	ssyncadd.s32 $0xFFFFFF80  }
0xcc: {  	_ =	swait.ge [sflag:s11], $0x2000  }
0xcd: {  	[sflag:s11] =	ssyncset.done $0x0  }
0xce: {  	[sflag:s11] =	ssyncadd.s32 $0xFFFFE000  }
0xcf: {  	_ =	swait.ge [sflag:s11], $0x80  }
0xd0: {  	[sflag:s11] =	ssyncset.done $0x0  }
0xd1: {  	[sflag:s11] =	ssyncadd.s32 $0xFFFFFF80  }
0xd2: {  	_ =	swait.ge [sflag:s11], $0x2000  }
0xd3: {  	[sflag:s11] =	ssyncset.done $0x0  }
0xd4: {  	[sflag:s11] =	ssyncadd.s32 $0xFFFFE000  }
0xd5: {  	_ =	swait.ge [sflag:s11], $0x80  }
0xd6: {  	[sflag:s11] =	ssyncset.done $0x0  }
0xd7: {  	[sflag:s11] =	ssyncadd.s32 $0xFFFFFF80  }
0xd8: {  	_ =	swait.ge [sflag:s11], $0x80  }
0xd9: {  	[sflag:s11] =	ssyncset.done $0x0  }
0xda: {  	[sflag:s11] =	ssyncadd.s32 $0xFFFFFF80  }
0xdb: {  	_ =	swait.ge [sflag:s11], $0x2000  }
0xdc: {  	[sflag:s11] =	ssyncset.done $0x0  }
0xdd: {  	[sflag:s11] =	ssyncadd.s32 $0xFFFFE000  }
0xde: {  	_ =	swait.ge [sflag:s11], $0x80  }
0xdf: {  	[sflag:s11] =	ssyncset.done $0x0  }
0xe0: {  	[sflag:s11] =	ssyncadd.s32 $0xFFFFFF80  }
0xe1: {  	_ =	swait.ge [sflag:s11], $0x2000  }
0xe2: {  	[sflag:s11] =	ssyncset.done $0x0  }
0xe3: {  	[sflag:s11] =	ssyncadd.s32 $0xFFFFE000  }
0xe4: {  	_ =	swait.ge [sflag:s11], $0x80  }
0xe5: {  	[sflag:s11] =	ssyncset.done $0x0  }
0xe6: {  	[sflag:s11] =	ssyncadd.s32 $0xFFFFFF80  }
0xe7: {  	_ =	swait.ge [sflag:s11], $0x80  }
0xe8: {  	[sflag:s11] =	ssyncset.done $0x0  }
0xe9: {  	[sflag:s11] =	ssyncadd.s32 $0xFFFFFF80  }
0xea: {  	_ =	swait.ge [sflag:s11], $0x2000  }
0xeb: {  	[sflag:s11] =	ssyncset.done $0x0  }
0xec: {  	[sflag:s11] =	ssyncadd.s32 $0xFFFFE000  }
0xed: {  	_ =	swait.ge [sflag:s11], $0x80  }
0xee: {  	[sflag:s11] =	ssyncset.done $0x0  }
0xef: {  	[sflag:s11] =	ssyncadd.s32 $0xFFFFFF80  }
0xf0: {  	_ =	swait.ge [sflag:s11], $0x2000  }
0xf1: {  	[sflag:s11] =	ssyncset.done $0x0  }
0xf2: {  	[sflag:s11] =	ssyncadd.s32 $0xFFFFE000  }
0xf3: {  	_ =	swait.ge [sflag:s11], $0x80  }
0xf4: {  	[sflag:s11] =	ssyncset.done $0x0  }
0xf5: {  	[sflag:s11] =	ssyncadd.s32 $0xFFFFFF80  }
0xf6: {  	_ =	swait.ge [sflag:s11], $0x80  }
0xf7: {  	[sflag:s11] =	ssyncset.done $0x0  }
0xf8: {  	[sflag:s11] =	ssyncadd.s32 $0xFFFFFF80  }
0xf9: {  	_ =	swait.ge [sflag:s11], $0x2000  }
0xfa: {  	[sflag:s11] =	ssyncset.done $0x0  }
0xfb: {  	[sflag:s11] =	ssyncadd.s32 $0xFFFFE000  }
0xfc: {  	_ =	swait.ge [sflag:s11], $0x80  }
0xfd: {  	[sflag:s11] =	ssyncset.done $0x0  }
0xfe: {  	s18 =	rddreg [dreg:$0x9];
	[sflag:s11] =	ssyncadd.s32 $0xFFFFFF80  }
0xff: {  	[hbm4b:s18+s2] =	stream.linear.scatter [tilespmem:s8], [sflag:$0x2], $0x8000, $0x38;
	[tilespmem:$0x10800] =	vst v63  }
0x100: {  	_ =	swait.ge [sflag:s3], $0x8000  }
0x101: {  	[sflag:s3] =	ssyncset.done $0x0  }
0x102: {  	s18 =	rddreg [dreg:$0xa];
	[sflag:s3] =	ssyncadd.s32 $0xFFFF8000  }
0x103: {  	[hbm4b:s18+s2] =	stream.linear.scatter [tilespmem:s7], [sflag:$0x2], $0x200, $0x38;
	[tilespmem:$0x10800] =	vst v63  }
0x104: {  	_ =	swait.ge [sflag:s3], $0x200  }
0x105: {  	[sflag:s3] =	ssyncset.done $0x0  }
0x106: {  	s18 =	rddreg [dreg:$0xb];
	[sflag:s3] =	ssyncadd.s32 $0xFFFFFE00  }
0x107: {  	[hbm4b:s18+s2] =	stream.linear.scatter [tilespmem:s6], [sflag:$0x2], $0x200, $0x38;
	[tilespmem:$0x10800] =	vst v63  }
0x108: {  	_ =	swait.ge [sflag:s3], $0x200  }
0x109: {  	[sflag:s3] =	ssyncset.done $0x0  }
0x10a: {  	s18 =	rddreg [dreg:$0xc];
	[sflag:s3] =	ssyncadd.s32 $0xFFFFFE00  }
0x10b: {  	[hbm4b:s18+s2] =	stream.linear.scatter [tilespmem:s5], [sflag:$0x2], $0x8000, $0x38;
	[tilespmem:$0x10800] =	vst v63  }
0x10c: {  	p1 =	sne.s32 s0, $0x1;
	_ =	swait.ge [sflag:s3], $0x8000  }
.Ltmp2:
0x10d: {  	[sflag:s3] =	ssyncset.done $0x0;
	(pc) =	sbr.rel @p1 .LBB2_4-.Ltmp2, $4  }
0x10e: {  	s18 =	rddreg [dreg:$0xd];
	[sflag:s3] =	ssyncadd.s32 $0xFFFF8000  }
0x10f: {  	[hbm4b:s18+s2] =	stream.linear.scatter [tilespmem:s4], [sflag:$0x2], $0x200, $0x38;
	[tilespmem:$0x10800] =	vst v63  }
0x110: {  	_ =	swait.ge [sflag:s3], $0x200  }
0x111: {  	s0 =	sadd.s32 $0xFFFFFFFF, s0;
	s1 =	rddreg [dreg:$0x8];
	[sflag:s3] =	ssyncset.done $0x0  }
0x112: {  	s31 =	simm.s32 $0xE600  }
0x113: {  	s30 =	simm.s32 $0x8580;
	s29 =	simm.s32 $0x8380;
	s28 =	simm.s32 $0x6200  }
0x114: {  	s26 =	simm.s32 $0x10700;
	s25 =	simm.s32 $0xC600;
	s24 =	simm.s32 $0x8500  }
0x115: {  	s23 =	simm.s32 $0x8300;
	s22 =	simm.s32 $0x4200;
	s21 =	simm.s32 $0x10680  }
0x116: {  	s20 =	simm.s32 $0xA600;
	s19 =	simm.s32 $0x8480;
	s18 =	rddreg [dreg:$0x7]  }
.LBB2_6:
0x117: {  	[sflag:s3] =	ssyncadd.s32 @p0 $0xFFFFFE00  }
0x118: {  	[tilespmem:s2], [sflag:$0x2] =	stream.linear.gather [hbm4b:s1+s2], $0x200, $0x38;
	[tilespmem:$0x10800] =	vst v63  }
0x119: {  	_ =	swait.ge [sflag:s3], $0x200  }
0x11a: {  	[sflag:s3] =	ssyncset.done $0x0  }
0x11b: {  	[sflag:s3] =	ssyncadd.s32 $0xFFFFFE00  }
0x11c: {  	[tilespmem:s8], [sflag:$0x1] =	stream.indirect.gather [hbm4b:s12+s15], $0x40, s2, s15, $0xb8;
	[tilespmem:$0x10800] =	vst v63  }
0x11d: {  	_ = 	snop  }
0x11e: {  	[tilespmem:s7], [sflag:$0x1] =	stream.indirect.gather [hbm4b:s10+s15], $0x1, s2, s15, $0xb8;
	[tilespmem:$0x10800] =	vst v63  }
0x11f: {  	_ = 	snop  }
0x120: {  	[tilespmem:s6], [sflag:$0x1] =	stream.indirect.gather [hbm4b:s13+s15], $0x1, s2, s15, $0xb8;
	[tilespmem:$0x10800] =	vst v63  }
0x121: {  	_ = 	snop  }
0x122: {  	[tilespmem:s5], [sflag:$0x1] =	stream.indirect.gather [hbm4b:s14+s15], $0x40, s2, s15, $0xb8;
	[tilespmem:$0x10800] =	vst v63  }
0x123: {  	_ = 	snop  }
0x124: {  	[tilespmem:s4], [sflag:$0x1] =	stream.indirect.gather [hbm4b:s9+s15], $0x1, s2, s15, $0xb8;
	[tilespmem:$0x10800] =	vst v63  }
0x125: {  	s0 =	rddreg [dreg:$0xe]  }
0x126: {  	[tilespmem:s0], [sflag:$0x1] =	stream.indirect.gather [hbm4b:s12+s15], $0x40, s15, s15, $0xb8;
	[tilespmem:$0x10800] =	vst v63  }
0x127: {  	s1 =	rddreg [dreg:$0xf]  }
0x128: {  	[tilespmem:s1], [sflag:$0x1] =	stream.indirect.gather [hbm4b:s10+s15], $0x1, s15, s15, $0xb8;
	[tilespmem:$0x10800] =	vst v63  }
0x129: {  	_ = 	snop  }
0x12a: {  	[tilespmem:s19], [sflag:$0x1] =	stream.indirect.gather [hbm4b:s13+s15], $0x1, s15, s15, $0xb8;
	[tilespmem:$0x10800] =	vst v63  }
0x12b: {  	_ = 	snop  }
0x12c: {  	[tilespmem:s20], [sflag:$0x1] =	stream.indirect.gather [hbm4b:s14+s15], $0x40, s15, s15, $0xb8;
	[tilespmem:$0x10800] =	vst v63  }
0x12d: {  	_ = 	snop  }
0x12e: {  	[tilespmem:s21], [sflag:$0x1] =	stream.indirect.gather [hbm4b:s9+s15], $0x1, s15, s15, $0xb8;
	[tilespmem:$0x10800] =	vst v63  }
0x12f: {  	_ = 	snop  }
0x130: {  	[tilespmem:s22], [sflag:$0x1] =	stream.indirect.gather [hbm4b:s12+s15], $0x40, s16, s15, $0xb8;
	[tilespmem:$0x10800] =	vst v63  }
0x131: {  	_ = 	snop  }
0x132: {  	[tilespmem:s23], [sflag:$0x1] =	stream.indirect.gather [hbm4b:s10+s15], $0x1, s16, s15, $0xb8;
	[tilespmem:$0x10800] =	vst v63  }
0x133: {  	_ = 	snop  }
0x134: {  	[tilespmem:s24], [sflag:$0x1] =	stream.indirect.gather [hbm4b:s13+s15], $0x1, s16, s15, $0xb8;
	[tilespmem:$0x10800] =	vst v63  }
0x135: {  	_ = 	snop  }
0x136: {  	[tilespmem:s25], [sflag:$0x1] =	stream.indirect.gather [hbm4b:s14+s15], $0x40, s16, s15, $0xb8;
	[tilespmem:$0x10800] =	vst v63  }
0x137: {  	_ = 	snop  }
0x138: {  	[tilespmem:s26], [sflag:$0x1] =	stream.indirect.gather [hbm4b:s9+s15], $0x1, s16, s15, $0xb8;
	[tilespmem:$0x10800] =	vst v63  }
0x139: {  	_ = 	snop  }
0x13a: {  	[tilespmem:s28], [sflag:$0x1] =	stream.indirect.gather [hbm4b:s12+s15], $0x40, s17, s15, $0xb8;
	[tilespmem:$0x10800] =	vst v63  }
0x13b: {  	_ = 	snop  }
0x13c: {  	[tilespmem:s29], [sflag:$0x1] =	stream.indirect.gather [hbm4b:s10+s15], $0x1, s17, s15, $0xb8;
	[tilespmem:$0x10800] =	vst v63  }
0x13d: {  	_ = 	snop  }
0x13e: {  	[tilespmem:s30], [sflag:$0x1] =	stream.indirect.gather [hbm4b:s13+s15], $0x1, s17, s15, $0xb8;
	[tilespmem:$0x10800] =	vst v63  }
0x13f: {  	_ = 	snop  }
0x140: {  	[tilespmem:s31], [sflag:$0x1] =	stream.indirect.gather [hbm4b:s14+s15], $0x40, s17, s15, $0xb8;
	[tilespmem:$0x10800] =	vst v63  }
0x141: {  	s24 =	simm.s32 $0x10780  }
0x142: {  	[tilespmem:s24], [sflag:$0x1] =	stream.indirect.gather [hbm4b:s9+s15], $0x1, s17, s15, $0xb8;
	[tilespmem:$0x10800] =	vst v63  }
0x143: {  	_ =	swait.ge [sflag:s11], $0x2000  }
0x144: {  	[sflag:s11] =	ssyncset.done $0x0  }
0x145: {  	[sflag:s11] =	ssyncadd.s32 $0xFFFFE000  }
0x146: {  	_ =	swait.ge [sflag:s11], $0x80  }
0x147: {  	[sflag:s11] =	ssyncset.done $0x0  }
0x148: {  	[sflag:s11] =	ssyncadd.s32 $0xFFFFFF80  }
0x149: {  	_ =	swait.ge [sflag:s11], $0x80  }
0x14a: {  	[sflag:s11] =	ssyncset.done $0x0  }
0x14b: {  	[sflag:s11] =	ssyncadd.s32 $0xFFFFFF80  }
0x14c: {  	_ =	swait.ge [sflag:s11], $0x2000  }
0x14d: {  	[sflag:s11] =	ssyncset.done $0x0  }
0x14e: {  	[sflag:s11] =	ssyncadd.s32 $0xFFFFE000  }
0x14f: {  	_ =	swait.ge [sflag:s11], $0x80  }
0x150: {  	[sflag:s11] =	ssyncset.done $0x0  }
0x151: {  	[sflag:s11] =	ssyncadd.s32 $0xFFFFFF80  }
0x152: {  	_ =	swait.ge [sflag:s11], $0x2000  }
0x153: {  	[sflag:s11] =	ssyncset.done $0x0  }
0x154: {  	[sflag:s11] =	ssyncadd.s32 $0xFFFFE000  }
0x155: {  	_ =	swait.ge [sflag:s11], $0x80  }
0x156: {  	[sflag:s11] =	ssyncset.done $0x0  }
0x157: {  	[sflag:s11] =	ssyncadd.s32 $0xFFFFFF80  }
0x158: {  	_ =	swait.ge [sflag:s11], $0x80  }
0x159: {  	[sflag:s11] =	ssyncset.done $0x0  }
0x15a: {  	[sflag:s11] =	ssyncadd.s32 $0xFFFFFF80  }
0x15b: {  	_ =	swait.ge [sflag:s11], $0x2000  }
0x15c: {  	[sflag:s11] =	ssyncset.done $0x0  }
0x15d: {  	[sflag:s11] =	ssyncadd.s32 $0xFFFFE000  }
0x15e: {  	_ =	swait.ge [sflag:s11], $0x80  }
0x15f: {  	[sflag:s11] =	ssyncset.done $0x0  }
0x160: {  	[sflag:s11] =	ssyncadd.s32 $0xFFFFFF80  }
0x161: {  	_ =	swait.ge [sflag:s11], $0x2000  }
0x162: {  	[sflag:s11] =	ssyncset.done $0x0  }
0x163: {  	[sflag:s11] =	ssyncadd.s32 $0xFFFFE000  }
0x164: {  	_ =	swait.ge [sflag:s11], $0x80  }
0x165: {  	[sflag:s11] =	ssyncset.done $0x0  }
0x166: {  	[sflag:s11] =	ssyncadd.s32 $0xFFFFFF80  }
0x167: {  	_ =	swait.ge [sflag:s11], $0x80  }
0x168: {  	[sflag:s11] =	ssyncset.done $0x0  }
0x169: {  	[sflag:s11] =	ssyncadd.s32 $0xFFFFFF80  }
0x16a: {  	_ =	swait.ge [sflag:s11], $0x2000  }
0x16b: {  	[sflag:s11] =	ssyncset.done $0x0  }
0x16c: {  	[sflag:s11] =	ssyncadd.s32 $0xFFFFE000  }
0x16d: {  	_ =	swait.ge [sflag:s11], $0x80  }
0x16e: {  	[sflag:s11] =	ssyncset.done $0x0  }
0x16f: {  	[sflag:s11] =	ssyncadd.s32 $0xFFFFFF80  }
0x170: {  	_ =	swait.ge [sflag:s11], $0x2000  }
0x171: {  	[sflag:s11] =	ssyncset.done $0x0  }
0x172: {  	[sflag:s11] =	ssyncadd.s32 $0xFFFFE000  }
0x173: {  	_ =	swait.ge [sflag:s11], $0x80  }
0x174: {  	[sflag:s11] =	ssyncset.done $0x0  }
0x175: {  	[sflag:s11] =	ssyncadd.s32 $0xFFFFFF80  }
0x176: {  	_ =	swait.ge [sflag:s11], $0x80  }
0x177: {  	[sflag:s11] =	ssyncset.done $0x0  }
0x178: {  	[sflag:s11] =	ssyncadd.s32 $0xFFFFFF80  }
0x179: {  	_ =	swait.ge [sflag:s11], $0x2000  }
0x17a: {  	[sflag:s11] =	ssyncset.done $0x0  }
0x17b: {  	[sflag:s11] =	ssyncadd.s32 $0xFFFFE000  }
0x17c: {  	_ =	swait.ge [sflag:s11], $0x80  }
0x17d: {  	[sflag:s11] =	ssyncset.done $0x0  }
0x17e: {  	s25 =	rddreg [dreg:$0x9];
	[sflag:s11] =	ssyncadd.s32 $0xFFFFFF80  }
0x17f: {  	[hbm4b:s25+s2] =	stream.linear.scatter [tilespmem:s8], [sflag:$0x2], $0x8000, $0x38;
	[tilespmem:$0x10800] =	vst v63  }
0x180: {  	_ =	swait.ge [sflag:s3], $0x8000  }
0x181: {  	[sflag:s3] =	ssyncset.done $0x0  }
0x182: {  	s26 =	rddreg [dreg:$0xa];
	[sflag:s3] =	ssyncadd.s32 $0xFFFF8000  }
0x183: {  	[hbm4b:s26+s2] =	stream.linear.scatter [tilespmem:s7], [sflag:$0x2], $0x200, $0x38;
	[tilespmem:$0x10800] =	vst v63  }
0x184: {  	_ =	swait.ge [sflag:s3], $0x200  }
0x185: {  	[sflag:s3] =	ssyncset.done $0x0  }
0x186: {  	s28 =	rddreg [dreg:$0xb];
	[sflag:s3] =	ssyncadd.s32 $0xFFFFFE00  }
0x187: {  	[hbm4b:s28+s2] =	stream.linear.scatter [tilespmem:s6], [sflag:$0x2], $0x200, $0x38;
	[tilespmem:$0x10800] =	vst v63  }
0x188: {  	_ =	swait.ge [sflag:s3], $0x200  }
0x189: {  	[sflag:s3] =	ssyncset.done $0x0  }
0x18a: {  	s29 =	rddreg [dreg:$0xc];
	[sflag:s3] =	ssyncadd.s32 $0xFFFFFE00  }
0x18b: {  	[hbm4b:s29+s2] =	stream.linear.scatter [tilespmem:s5], [sflag:$0x2], $0x8000, $0x38;
	[tilespmem:$0x10800] =	vst v63  }
0x18c: {  	_ =	swait.ge [sflag:s3], $0x8000  }
0x18d: {  	[sflag:s3] =	ssyncset.done $0x0  }
0x18e: {  	s30 =	rddreg [dreg:$0xd];
	[sflag:s3] =	ssyncadd.s32 $0xFFFF8000  }
0x18f: {  	[hbm4b:s30+s2] =	stream.linear.scatter [tilespmem:s4], [sflag:$0x2], $0x200, $0x38;
	[tilespmem:$0x10800] =	vst v63  }
0x190: {  	_ =	swait.ge [sflag:s3], $0x200  }
0x191: {  	[sflag:s3] =	ssyncset.done $0x0  }
0x192: {  	[sflag:s3] =	ssyncadd.s32 $0xFFFFFE00  }
0x193: {  	_ =	sfence.sel $0x180000  }
0x194: {  	s31 =	stileid.u32;
	[bflag:$0x0] =	sbarrier.arrive $0xFFFF  }
0x195: {  	p0 =	sne.s32 s31, $0x0;
	_ =	strace $0x90000047  }
0x196: {  	s0 =	sadd.s32 @!p0 $0x100000, s18;
	[bflag:$0x2] =	sbarrier.arrive $0xFFFF  }
0x197: {  	[sflag:s0] =	ssyncadd.tile.s32 @!p0 $0x1;
	_ =	shalt  }
.LBB2_1:
.Ltmp3:
0x198: {  	(pc) =	sbr.rel .LBB2_6-.Ltmp3, $4  }
0x199: {  	s31 =	simm.s32 $0xE600;
	s30 =	simm.s32 $0x8580;
	s29 =	simm.s32 $0x8380  }
0x19a: {  	s28 =	simm.s32 $0x6200;
	s26 =	simm.s32 $0x10700;
	s25 =	simm.s32 $0xC600  }
0x19b: {  	s24 =	simm.s32 $0x8500;
	s23 =	simm.s32 $0x8300;
	s22 =	simm.s32 $0x4200  }
0x19c: {  	s21 =	simm.s32 $0x10680;
	s20 =	simm.s32 $0xA600;
	s19 =	simm.s32 $0x8480  }
.LBB2_3:
.Ltmp4:
0x19d: {  	s31 =	simm.s32 $0xE600;
	(pc) =	sbr.rel .LBB2_6-.Ltmp4, $4  }
0x19e: {  	s30 =	simm.s32 $0x8580;
	s29 =	simm.s32 $0x8380;
	s28 =	simm.s32 $0x6200  }
0x19f: {  	s26 =	simm.s32 $0x10700;
	s25 =	simm.s32 $0xC600;
	s24 =	simm.s32 $0x8500  }
0x1a0: {  	s23 =	simm.s32 $0x8300;
	s22 =	simm.s32 $0x4200;
	s21 =	simm.s32 $0x10680  }
0x1a1: {  	s20 =	simm.s32 $0xA600;
	s19 =	simm.s32 $0x8480;
	s18 =	rddreg [dreg:$0x7]  }
.Lfunc_end2:
_tile_overlayer_lowered:
.L_overlay_start_2:
0x1a2: {  	(tag) =	ssettag $0x2  }
0x1a3: {  	s0 =	rddreg [dreg:$0x0];
	s2 =	stileid.u32  }
0x1a4: {  	s1 =	rddreg [dreg:$0x1];
	p0 =	sne.s32 s2, $0x0  }
0x1a5: {  	s3 =	rddreg [dreg:$0x2];
	[bflag:$0x3] =	sbarrier.arrive $0xFFFF;
	s2 =	simm.s32 @!p0 $0x1C02  }
0x1a6: {  	[timem:s3], [sflag:s2] =	dma.local @!p0 [hbm:s0], s1  }
0x1a7: {  	s0 =	simm.s32 @!p0 $0x2  }
0x1a8: {  	_ =	swait.ge @!p0 [sflag:s0], s1  }
0x1a9: {  	s1 =	ssub.s32 @!p0 $0x0, s1;
	[sflag:s0] =	ssyncset.done @!p0 $0x0  }
0x1aa: {  	[sflag:s0] =	ssyncadd.s32 @!p0 s1  }
0x1ab: {  	[bflag:$0x3] =	sbarrier.arrive $0xFFFF  }
0x1ac: {  	_ =	shalt  }

</sc_bundles>
